<compile_context>
chip_gen: v7x
topology: tpu7x:2x2x1
jax: 0.10.2.dev20260603
libtpu: 0.0.44.dev20260713+nightly
codegen_flags: <defaults>
</compile_context>

<pallas_src>
import functools

import jax
import jax.numpy as jnp
from jax import lax
from jax.experimental import pallas as pl
from jax.experimental.pallas import tpu as pltpu
from jax.experimental.pallas import tpu_sc as plsc

_K = 512
_B = 64
_N = 8192
_L = 16
_L2 = 32
_NW = 32
_ROWS_PER_W = _B // _NW
_CHUNKS = _N // _L
_CHUNKS2 = _N // _L2
_UNROLL = 8

_GATHER_DNUMS = lax.GatherDimensionNumbers(
    offset_dims=(), collapsed_slice_dims=(0,), start_index_map=(0,))


def _rot(v, idx):
    return lax.gather(v, idx[:, None], dimension_numbers=_GATHER_DNUMS,
                      slice_sizes=(1,),
                      mode=lax.GatherScatterMode.PROMISE_IN_BOUNDS)


def _lane_sum(v):
    iota = lax.iota(jnp.int32, _L)
    for shift in (8, 4, 2, 1):
        v = v + _rot(v, (iota + shift) & (_L - 1))
    return v


def _ge_total(cnt32):
    s = _lane_sum((cnt32 & 0xFFFF) + (cnt32 >> 16))
    return _N - s


def _splat16(v32):
    return plsc.bitcast(v32 | (v32 << 16), jnp.int16)


def _body(x_hbm, out_hbm, row_a, row_b, hi_v, lo_v, lsem_a, lsem_b, ssem):
    wid = lax.axis_index("s") * 2 + lax.axis_index("c")
    ones = jnp.ones((_L,), jnp.int32)
    zeros = jnp.zeros((_L,), jnp.int32)
    kvec = jnp.full((_L,), _K, jnp.int32)

    row0 = wid * _ROWS_PER_W
    stores = []
    cp_a = pltpu.make_async_copy(x_hbm.at[row0], row_a, lsem_a)
    cp_b = pltpu.make_async_copy(x_hbm.at[row0 + 1], row_b, lsem_b)
    cp_a.start()
    cp_b.start()

    for r in range(_ROWS_PER_W):
        row_v = row_a if r == 0 else row_b
        (cp_a if r == 0 else cp_b).wait()

        with jax.named_scope("ph_prep"):
            @plsc.parallel_loop(0, _CHUNKS // 2, unroll=_UNROLL,
                                carry=jnp.int32(0))
            def _prep(i, c):
                off = i * _L2
                b0 = lax.bitcast_convert_type(jnp.abs(row_v[pl.ds(off, _L)]),
                                              jnp.int32)
                b1 = lax.bitcast_convert_type(
                    jnp.abs(row_v[pl.ds(off + _L, _L)]), jnp.int32)
                o2 = i * _L
                hi_v[pl.ds(o2, _L)] = (b0 >> 16) | (b1 & 0x7FFF0000)
                lo_v[pl.ds(o2, _L)] = ((b0 >> 1) & 0x7FFF) | ((b1 << 15)
                                                              & 0x7FFF0000)
                return c

        def make_search(arr_v):
            def step(bi, t):
                cand = t | (ones << jnp.broadcast_to(jnp.int32(14) - bi,
                                                     (_L,)))
                cand16 = _splat16(cand)

                @plsc.parallel_loop(0, _CHUNKS2, unroll=_UNROLL,
                                    carry=zeros)
                def cnt(j, cnt):
                    v16 = plsc.bitcast(arr_v[pl.ds(j * _L, _L)], jnp.int16)
                    d = plsc.bitcast(v16 - cand16, jnp.int32)
                    return cnt + ((d >> 15) & 0x00010001)
                tot = _ge_total(cnt)
                return jnp.where(tot >= kvec, cand, t)
            return step

        with jax.named_scope("ph_hisearch"):
            t1 = lax.fori_loop(0, 15, make_search(hi_v), zeros)

        t16 = _splat16(t1)

        with jax.named_scope("ph_fold"):
            @plsc.parallel_loop(0, _CHUNKS2, unroll=_UNROLL,
                                carry=jnp.int32(0))
            def _fold(j, c):
                off = j * _L
                h = plsc.bitcast(hi_v[pl.ds(off, _L)], jnp.int16)
                l32 = lo_v[pl.ds(off, _L)]
                pl_ = (plsc.bitcast(h - t16, jnp.int32) >> 15) & 0x00010001
                pg = (plsc.bitcast(t16 - h, jnp.int32) >> 15) & 0x00010001
                ltm = (pl_ << 16) - pl_
                gtm = (pg << 16) - pg
                eqm = ~(ltm | gtm)
                lo_v[pl.ds(off, _L)] = (l32 & eqm) | (gtm & 0x7FFF7FFF) | ltm
                return c

        with jax.named_scope("ph_losearch"):
            t2 = lax.fori_loop(0, 15, make_search(lo_v), zeros)

        cand0 = (t1 << 16) | (t2 << 1) | 1

        with jax.named_scope("ph_lastbit"):
            @plsc.parallel_loop(0, _CHUNKS, unroll=_UNROLL, carry=zeros)
            def cnt(i, cnt):
                b = lax.bitcast_convert_type(
                    jnp.abs(row_v[pl.ds(i * _L, _L)]), jnp.int32)
                return cnt + jnp.where(b >= cand0, ones, zeros)
        tot = _lane_sum(cnt)
        thresh = jnp.where(tot >= kvec, cand0, cand0 & ~1)

        with jax.named_scope("ph_mask"):
            @plsc.parallel_loop(0, _CHUNKS, unroll=_UNROLL,
                                carry=jnp.int32(0))
            def _mask(i, c):
                v = row_v[pl.ds(i * _L, _L)]
                keep = lax.bitcast_convert_type(jnp.abs(v), jnp.int32) >= thresh
                row_v[pl.ds(i * _L, _L)] = jnp.where(keep, v, jnp.float32(0))
                return c
        st = pltpu.make_async_copy(row_v, out_hbm.at[row0 + r], ssem)
        st.start()
        stores.append(st)

    for st in stores:
        st.wait()


@jax.jit
def kernel(x):
    mesh = plsc.VectorSubcoreMesh(core_axis_name="c", subcore_axis_name="s")
    fn = functools.partial(
        pl.kernel,
        mesh=mesh,
        compiler_params=pltpu.CompilerParams(needs_layout_passes=False),
        out_type=jax.ShapeDtypeStruct((_B, _N), jnp.float32),
        scratch_types=[
            pltpu.VMEM((_N,), jnp.float32),
            pltpu.VMEM((_N,), jnp.float32),
            pltpu.VMEM((_N // 2,), jnp.int32),
            pltpu.VMEM((_N // 2,), jnp.int32),
            pltpu.SemaphoreType.DMA,
            pltpu.SemaphoreType.DMA,
            pltpu.SemaphoreType.DMA,
        ],
    )(_body)
    return fn(x)

# --- scband reference (transcript-rebuilt; emitter-appended) ---
"""Pipeline reference for scband-top-kactivation-30090540876002 (READ-ONLY COPY).

The authoritative reference and input builder live on the scoring server;
editing this copy changes nothing except your own understanding.
"""

import jax, jax.numpy as jnp
import numpy as np

K = 512

def setup_inputs(seed: int = 0) -> dict:
    key = jax.random.key(seed)
    x = jax.random.normal(key, (64, 8192), dtype=jnp.float32)
    return {"x": x}

def reference(x):
    B = x.shape[0]
    flat = x.reshape(B, -1)
    abs_flat = jnp.abs(flat)
    N = abs_flat.shape[1]
    if K >= N:
        return x
    topk_vals, _ = jax.lax.top_k(abs_flat, K)
    thresh = topk_vals[:, -1][:, None]
    mask = (abs_flat >= thresh).astype(flat.dtype)
    flat = flat * mask
    return flat.reshape(x.shape)

if __name__ == "__main__":
    import jax
    _d = setup_inputs()
    print(jax.jit(kernel)(*tuple(_d.values())))

</pallas_src>

<mosaic_0001>
#map = affine_map<(d0, d1) -> (0, 0)>
module attributes {stable_mosaic.version = 14 : i64} {
  func.func @_body(%arg0: i32, %arg1: i32, %arg2: memref<64x8192xf32, #tpu.memory_space<hbm>>, %arg3: memref<64x8192xf32, #tpu.memory_space<hbm>>, %arg4: memref<8192xf32, #tpu.memory_space<vmem>>, %arg5: memref<8192xf32, #tpu.memory_space<vmem>>, %arg6: memref<4096xi32, #tpu.memory_space<vmem>>, %arg7: memref<4096xi32, #tpu.memory_space<vmem>>, %arg8: memref<!tpu.dma_semaphore, #tpu.memory_space<semaphore_mem>>, %arg9: memref<!tpu.dma_semaphore, #tpu.memory_space<semaphore_mem>>, %arg10: memref<!tpu.dma_semaphore, #tpu.memory_space<semaphore_mem>>) attributes {dimension_semantics = [#tpu.dimension_semantics<core_parallel>, #tpu.dimension_semantics<subcore_parallel>], iteration_bounds = array<i64: 2, 16>, scalar_prefetch = 0 : i64, scratch_operands = 7 : i64, tpu.core_type = #tpu.core_type<sc_vector_subcore>, window_params = [{transform_indices = #map}, {transform_indices = #map}]} {
    %mul3A = arith.constant 2 : i32
    %mul3A_0 = arith.muli %arg1, %mul3A : i32
    %add3A = arith.addi %mul3A_0, %arg0 : i32
    %broadcast_in_dim3A = arith.constant 1 : i32
    %broadcast_in_dim3A_1 = vector.broadcast %broadcast_in_dim3A : i32 to vector<16xi32>
    %broadcast_in_dim3A_2 = arith.constant 0 : i32
    %broadcast_in_dim3A_3 = vector.broadcast %broadcast_in_dim3A_2 : i32 to vector<16xi32>
    %broadcast_in_dim3A_4 = arith.constant 512 : i32
    %broadcast_in_dim3A_5 = vector.broadcast %broadcast_in_dim3A_4 : i32 to vector<16xi32>
    %mul3A_6 = arith.constant 2 : i32
    %mul3A_7 = arith.muli %add3A, %mul3A_6 : i32
    %add3A_8 = arith.constant 1 : i32
    %add3A_9 = arith.addi %mul3A_7, %add3A_8 : i32
    %dma_start3A = arith.constant 0 : i32
    %dma_start3A_10 = tpu.memref_slice %arg2[%mul3A_7, %dma_start3A] : memref<64x8192xf32, #tpu.memory_space<hbm>> -> memref<1x8192xf32, #tpu.memory_space<hbm>>
    %dma_start3A_11 = tpu.memref_squeeze %dma_start3A_10 : memref<1x8192xf32, #tpu.memory_space<hbm>> -> memref<8192xf32, #tpu.memory_space<hbm>>
    %dma_start3A_12 = arith.constant 0 : i32
    %dma_start3A_13 = tpu.memref_slice %arg2[%mul3A_7, %dma_start3A_12] : memref<64x8192xf32, #tpu.memory_space<hbm>> -> memref<1x8192xf32, #tpu.memory_space<hbm>>
    %dma_start3A_14 = tpu.memref_squeeze %dma_start3A_13 : memref<1x8192xf32, #tpu.memory_space<hbm>> -> memref<8192xf32, #tpu.memory_space<hbm>>
    tpu.enqueue_dma source(%dma_start3A_14 : memref<8192xf32, #tpu.memory_space<hbm>>) target(%arg4 : memref<8192xf32, #tpu.memory_space<vmem>>) target_semaphore(%arg8 : memref<!tpu.dma_semaphore, #tpu.memory_space<semaphore_mem>>)
    %dma_start3A_15 = arith.constant 0 : i32
    %dma_start3A_16 = tpu.memref_slice %arg2[%add3A_9, %dma_start3A_15] : memref<64x8192xf32, #tpu.memory_space<hbm>> -> memref<1x8192xf32, #tpu.memory_space<hbm>>
    %dma_start3A_17 = tpu.memref_squeeze %dma_start3A_16 : memref<1x8192xf32, #tpu.memory_space<hbm>> -> memref<8192xf32, #tpu.memory_space<hbm>>
    %dma_start3A_18 = arith.constant 0 : i32
    %dma_start3A_19 = tpu.memref_slice %arg2[%add3A_9, %dma_start3A_18] : memref<64x8192xf32, #tpu.memory_space<hbm>> -> memref<1x8192xf32, #tpu.memory_space<hbm>>
    %dma_start3A_20 = tpu.memref_squeeze %dma_start3A_19 : memref<1x8192xf32, #tpu.memory_space<hbm>> -> memref<8192xf32, #tpu.memory_space<hbm>>
    tpu.enqueue_dma source(%dma_start3A_20 : memref<8192xf32, #tpu.memory_space<hbm>>) target(%arg5 : memref<8192xf32, #tpu.memory_space<vmem>>) target_semaphore(%arg9 : memref<!tpu.dma_semaphore, #tpu.memory_space<semaphore_mem>>)
    %dma_wait3A = arith.constant 0 : i32
    %dma_wait3A_21 = tpu.memref_slice %arg2[%mul3A_7, %dma_wait3A] : memref<64x8192xf32, #tpu.memory_space<hbm>> -> memref<1x8192xf32, #tpu.memory_space<hbm>>
    %dma_wait3A_22 = tpu.memref_squeeze %dma_wait3A_21 : memref<1x8192xf32, #tpu.memory_space<hbm>> -> memref<8192xf32, #tpu.memory_space<hbm>>
    %dma_wait3A_23 = arith.constant 0 : i32
    %dma_wait3A_24 = tpu.memref_slice %arg2[%mul3A_7, %dma_wait3A_23] : memref<64x8192xf32, #tpu.memory_space<hbm>> -> memref<1x8192xf32, #tpu.memory_space<hbm>>
    %dma_wait3A_25 = tpu.memref_squeeze %dma_wait3A_24 : memref<1x8192xf32, #tpu.memory_space<hbm>> -> memref<8192xf32, #tpu.memory_space<hbm>>
    tpu.wait_dma2 semaphore(%arg8 : memref<!tpu.dma_semaphore, #tpu.memory_space<semaphore_mem>>) src(%dma_wait3A_25 : memref<8192xf32, #tpu.memory_space<hbm>>) dst(%arg4 : memref<8192xf32, #tpu.memory_space<vmem>>)
    %parallel_loop3A = arith.constant 0 : i32
    %parallel_loop3A_26 = arith.constant 256 : i32
    %parallel_loop3A_27 = arith.constant 1 : i32
    %parallel_loop3A_28 = arith.constant 0 : i32
    "tpu.trace_start"() <{level = 10 : i32, message = "ph_prep"}> : () -> ()
    %parallel_loop3A_29 = scf.for %parallel_loop3A_234 = %parallel_loop3A to %parallel_loop3A_26 step %parallel_loop3A_27 iter_args(%parallel_loop3A_235 = %parallel_loop3A_28) -> (i32)  : i32 {
      %parallel_loop3A_236 = arith.constant 32 : i32
      %parallel_loop3A_237 = arith.muli %parallel_loop3A_234, %parallel_loop3A_236 : i32
      %parallel_loop3A_238 = arith.index_cast %parallel_loop3A_237 : i32 to index
      %parallel_loop3A_239 = tpu.vector_load %arg4[%parallel_loop3A_238] {strides = array<i32>} : memref<8192xf32, #tpu.memory_space<vmem>>, vector<16xf32>,
      %parallel_loop3A_240 = math.absf %parallel_loop3A_239 : vector<16xf32>
      %parallel_loop3A_241 = tpu.bitcast %parallel_loop3A_240 : vector<16xf32> -> vector<16xi32>
      %parallel_loop3A_242 = arith.constant 16 : i32
      %parallel_loop3A_243 = arith.addi %parallel_loop3A_237, %parallel_loop3A_242 : i32
      %parallel_loop3A_244 = arith.index_cast %parallel_loop3A_243 : i32 to index
      %parallel_loop3A_245 = tpu.vector_load %arg4[%parallel_loop3A_244] {strides = array<i32>} : memref<8192xf32, #tpu.memory_space<vmem>>, vector<16xf32>,
      %parallel_loop3A_246 = math.absf %parallel_loop3A_245 : vector<16xf32>
      %parallel_loop3A_247 = tpu.bitcast %parallel_loop3A_246 : vector<16xf32> -> vector<16xi32>
      %parallel_loop3A_248 = arith.constant 16 : i32
      %parallel_loop3A_249 = arith.muli %parallel_loop3A_234, %parallel_loop3A_248 : i32
      %parallel_loop3A_250 = arith.constant 16 : i32
      %parallel_loop3A_251 = vector.broadcast %parallel_loop3A_250 : i32 to vector<16xi32>
      %parallel_loop3A_252 = arith.shrsi %parallel_loop3A_241, %parallel_loop3A_251 : vector<16xi32>
      %parallel_loop3A_253 = arith.constant 2147418112 : i32
      %parallel_loop3A_254 = vector.broadcast %parallel_loop3A_253 : i32 to vector<16xi32>
      %parallel_loop3A_255 = arith.andi %parallel_loop3A_247, %parallel_loop3A_254 : vector<16xi32>
      %parallel_loop3A_256 = arith.ori %parallel_loop3A_252, %parallel_loop3A_255 : vector<16xi32>
      %parallel_loop3A_257 = arith.index_cast %parallel_loop3A_249 : i32 to index
      %parallel_loop3A_258 = tpu.vector_load %arg6[%parallel_loop3A_257] {strides = array<i32>} : memref<4096xi32, #tpu.memory_space<vmem>>, vector<16xi32>,
      tpu.vector_store %arg6[%parallel_loop3A_257], %parallel_loop3A_256 {strides = array<i32>} : memref<4096xi32, #tpu.memory_space<vmem>>, vector<16xi32>,
      %parallel_loop3A_259 = arith.constant 1 : i32
      %parallel_loop3A_260 = vector.broadcast %parallel_loop3A_259 : i32 to vector<16xi32>
      %parallel_loop3A_261 = arith.shrsi %parallel_loop3A_241, %parallel_loop3A_260 : vector<16xi32>
      %parallel_loop3A_262 = arith.constant 32767 : i32
      %parallel_loop3A_263 = vector.broadcast %parallel_loop3A_262 : i32 to vector<16xi32>
      %parallel_loop3A_264 = arith.andi %parallel_loop3A_261, %parallel_loop3A_263 : vector<16xi32>
      %parallel_loop3A_265 = arith.constant 15 : i32
      %parallel_loop3A_266 = vector.broadcast %parallel_loop3A_265 : i32 to vector<16xi32>
      %parallel_loop3A_267 = arith.shli %parallel_loop3A_247, %parallel_loop3A_266 : vector<16xi32>
      %parallel_loop3A_268 = arith.constant 2147418112 : i32
      %parallel_loop3A_269 = vector.broadcast %parallel_loop3A_268 : i32 to vector<16xi32>
      %parallel_loop3A_270 = arith.andi %parallel_loop3A_267, %parallel_loop3A_269 : vector<16xi32>
      %parallel_loop3A_271 = arith.ori %parallel_loop3A_264, %parallel_loop3A_270 : vector<16xi32>
      %parallel_loop3A_272 = arith.index_cast %parallel_loop3A_249 : i32 to index
      %parallel_loop3A_273 = tpu.vector_load %arg7[%parallel_loop3A_272] {strides = array<i32>} : memref<4096xi32, #tpu.memory_space<vmem>>, vector<16xi32>,
      tpu.vector_store %arg7[%parallel_loop3A_272], %parallel_loop3A_271 {strides = array<i32>} : memref<4096xi32, #tpu.memory_space<vmem>>, vector<16xi32>,
      scf.yield %parallel_loop3A_235 : i32
    } {sc.loop_unroll_factor = 8 : i64, sc.parallel_access}
    "tpu.trace_stop"() : () -> ()
    "tpu.trace_start"() <{level = 10 : i32, message = "ph_hisearch"}> : () -> ()
    %scan3A = arith.constant 0 : i32
    %scan3A_30 = arith.constant 15 : i32
    %scan3A_31 = arith.addi %scan3A, %scan3A_30 : i32
    %scan3A_32 = arith.constant 1 : i32
    %scan3A_33 = scf.for %scan3A_234 = %scan3A to %scan3A_31 step %scan3A_32 iter_args(%scan3A_235 = %broadcast_in_dim3A_3) -> (vector<16xi32>)  : i32 {
      %sub3A = arith.constant 14 : i32
      %sub3A_236 = arith.subi %sub3A, %scan3A_234 : i32
      %broadcast_in_dim3A_237 = vector.broadcast %sub3A_236 : i32 to vector<16xi32>
      %shift_left3A_238 = arith.shli %broadcast_in_dim3A_1, %broadcast_in_dim3A_237 : vector<16xi32>
      %or3A_239 = arith.ori %scan3A_235, %shift_left3A_238 : vector<16xi32>
      %shift_left3A_240 = arith.constant 16 : i32
      %shift_left3A_241 = vector.broadcast %shift_left3A_240 : i32 to vector<16xi32>
      %shift_left3A_242 = arith.shli %or3A_239, %shift_left3A_241 : vector<16xi32>
      %or3A_243 = arith.ori %or3A_239, %shift_left3A_242 : vector<16xi32>
      %bitcast3A_244 = vector.bitcast %or3A_243 : vector<16xi32> to vector<32xi16>
      %parallel_loop3A_245 = arith.constant 0 : i32
      %parallel_loop3A_246 = arith.constant 256 : i32
      %parallel_loop3A_247 = arith.constant 1 : i32
      %parallel_loop3A_248 = scf.for %parallel_loop3A_301 = %parallel_loop3A_245 to %parallel_loop3A_246 step %parallel_loop3A_247 iter_args(%parallel_loop3A_302 = %broadcast_in_dim3A_3) -> (vector<16xi32>)  : i32 {
        %parallel_loop3A_303 = arith.constant 16 : i32
        %parallel_loop3A_304 = arith.muli %parallel_loop3A_301, %parallel_loop3A_303 : i32
        %parallel_loop3A_305 = arith.index_cast %parallel_loop3A_304 : i32 to index
        %parallel_loop3A_306 = tpu.vector_load %arg6[%parallel_loop3A_305] {strides = array<i32>} : memref<4096xi32, #tpu.memory_space<vmem>>, vector<16xi32>,
        %parallel_loop3A_307 = vector.bitcast %parallel_loop3A_306 : vector<16xi32> to vector<32xi16>
        %parallel_loop3A_308 = arith.subi %parallel_loop3A_307, %bitcast3A_244 : vector<32xi16>
        %parallel_loop3A_309 = vector.bitcast %parallel_loop3A_308 : vector<32xi16> to vector<16xi32>
        %parallel_loop3A_310 = arith.constant 15 : i32
        %parallel_loop3A_311 = vector.broadcast %parallel_loop3A_310 : i32 to vector<16xi32>
        %parallel_loop3A_312 = arith.shrsi %parallel_loop3A_309, %parallel_loop3A_311 : vector<16xi32>
        %parallel_loop3A_313 = arith.constant 65537 : i32
        %parallel_loop3A_314 = vector.broadcast %parallel_loop3A_313 : i32 to vector<16xi32>
        %parallel_loop3A_315 = arith.andi %parallel_loop3A_312, %parallel_loop3A_314 : vector<16xi32>
        %parallel_loop3A_316 = arith.addi %parallel_loop3A_302, %parallel_loop3A_315 : vector<16xi32>
        scf.yield %parallel_loop3A_316 : vector<16xi32>
      } {sc.loop_unroll_factor = 8 : i64, sc.parallel_access}
      %and3A_249 = arith.constant 65535 : i32
      %and3A_250 = vector.broadcast %and3A_249 : i32 to vector<16xi32>
      %and3A_251 = arith.andi %parallel_loop3A_248, %and3A_250 : vector<16xi32>
      %shift_right_arithmetic3A = arith.constant 16 : i32
      %shift_right_arithmetic3A_252 = vector.broadcast %shift_right_arithmetic3A : i32 to vector<16xi32>
      %shift_right_arithmetic3A_253 = arith.shrsi %parallel_loop3A_248, %shift_right_arithmetic3A_252 : vector<16xi32>
      %add3A_254 = arith.addi %and3A_251, %shift_right_arithmetic3A_253 : vector<16xi32>
      %iota3A_255 = tpu.iota {dimensions = array<i32: 0>} : vector<16xi32>
      %add3A_256 = arith.constant 8 : i32
      %add3A_257 = vector.broadcast %add3A_256 : i32 to vector<16xi32>
      %add3A_258 = arith.addi %iota3A_255, %add3A_257 : vector<16xi32>
      %and3A_259 = arith.constant 15 : i32
      %and3A_260 = vector.broadcast %and3A_259 : i32 to vector<16xi32>
      %and3A_261 = arith.andi %add3A_258, %and3A_260 : vector<16xi32>
      %broadcast_in_dim3A_262 = vector.shape_cast %and3A_261 : vector<16xi32> to vector<16x1xi32>
      %gather3A_263 = vector.shape_cast %broadcast_in_dim3A_262 : vector<16x1xi32> to vector<16xi32>
      %gather3A_264 = tpu.dynamic_gather %add3A_254[%gather3A_263] in [0] : vector<16xi32>, vector<16xi32> -> vector<16xi32>
      %add3A_265 = arith.addi %add3A_254, %gather3A_264 : vector<16xi32>
      %add3A_266 = arith.constant 4 : i32
      %add3A_267 = vector.broadcast %add3A_266 : i32 to vector<16xi32>
      %add3A_268 = arith.addi %iota3A_255, %add3A_267 : vector<16xi32>
      %and3A_269 = arith.constant 15 : i32
      %and3A_270 = vector.broadcast %and3A_269 : i32 to vector<16xi32>
      %and3A_271 = arith.andi %add3A_268, %and3A_270 : vector<16xi32>
      %broadcast_in_dim3A_272 = vector.shape_cast %and3A_271 : vector<16xi32> to vector<16x1xi32>
      %gather3A_273 = vector.shape_cast %broadcast_in_dim3A_272 : vector<16x1xi32> to vector<16xi32>
      %gather3A_274 = tpu.dynamic_gather %add3A_265[%gather3A_273] in [0] : vector<16xi32>, vector<16xi32> -> vector<16xi32>
      %add3A_275 = arith.addi %add3A_265, %gather3A_274 : vector<16xi32>
      %add3A_276 = arith.constant 2 : i32
      %add3A_277 = vector.broadcast %add3A_276 : i32 to vector<16xi32>
      %add3A_278 = arith.addi %iota3A_255, %add3A_277 : vector<16xi32>
      %and3A_279 = arith.constant 15 : i32
      %and3A_280 = vector.broadcast %and3A_279 : i32 to vector<16xi32>
      %and3A_281 = arith.andi %add3A_278, %and3A_280 : vector<16xi32>
      %broadcast_in_dim3A_282 = vector.shape_cast %and3A_281 : vector<16xi32> to vector<16x1xi32>
      %gather3A_283 = vector.shape_cast %broadcast_in_dim3A_282 : vector<16x1xi32> to vector<16xi32>
      %gather3A_284 = tpu.dynamic_gather %add3A_275[%gather3A_283] in [0] : vector<16xi32>, vector<16xi32> -> vector<16xi32>
      %add3A_285 = arith.addi %add3A_275, %gather3A_284 : vector<16xi32>
      %add3A_286 = arith.constant 1 : i32
      %add3A_287 = vector.broadcast %add3A_286 : i32 to vector<16xi32>
      %add3A_288 = arith.addi %iota3A_255, %add3A_287 : vector<16xi32>
      %and3A_289 = arith.constant 15 : i32
      %and3A_290 = vector.broadcast %and3A_289 : i32 to vector<16xi32>
      %and3A_291 = arith.andi %add3A_288, %and3A_290 : vector<16xi32>
      %broadcast_in_dim3A_292 = vector.shape_cast %and3A_291 : vector<16xi32> to vector<16x1xi32>
      %gather3A_293 = vector.shape_cast %broadcast_in_dim3A_292 : vector<16x1xi32> to vector<16xi32>
      %gather3A_294 = tpu.dynamic_gather %add3A_285[%gather3A_293] in [0] : vector<16xi32>, vector<16xi32> -> vector<16xi32>
      %add3A_295 = arith.addi %add3A_285, %gather3A_294 : vector<16xi32>
      %sub3A_296 = arith.constant 8192 : i32
      %sub3A_297 = vector.broadcast %sub3A_296 : i32 to vector<16xi32>
      %sub3A_298 = arith.subi %sub3A_297, %add3A_295 : vector<16xi32>
      %ge3A_299 = arith.cmpi sge, %sub3A_298, %broadcast_in_dim3A_5 : vector<16xi32>
      %select_n3A_300 = arith.select %ge3A_299, %or3A_239, %scan3A_235 : vector<16xi1>, vector<16xi32>
      scf.yield %select_n3A_300 : vector<16xi32>
    }
    %scan3A_34 = arith.constant 15 : i32
    "tpu.trace_stop"() : () -> ()
    %shift_left3A = arith.constant 16 : i32
    %shift_left3A_35 = vector.broadcast %shift_left3A : i32 to vector<16xi32>
    %shift_left3A_36 = arith.shli %scan3A_33, %shift_left3A_35 : vector<16xi32>
    %or3A = arith.ori %scan3A_33, %shift_left3A_36 : vector<16xi32>
    %bitcast3A = vector.bitcast %or3A : vector<16xi32> to vector<32xi16>
    %parallel_loop3A_37 = arith.constant 0 : i32
    %parallel_loop3A_38 = arith.constant 256 : i32
    %parallel_loop3A_39 = arith.constant 1 : i32
    %parallel_loop3A_40 = arith.constant 0 : i32
    "tpu.trace_start"() <{level = 10 : i32, message = "ph_fold"}> : () -> ()
    %parallel_loop3A_41 = scf.for %parallel_loop3A_234 = %parallel_loop3A_37 to %parallel_loop3A_38 step %parallel_loop3A_39 iter_args(%parallel_loop3A_235 = %parallel_loop3A_40) -> (i32)  : i32 {
      %parallel_loop3A_236 = arith.constant 16 : i32
      %parallel_loop3A_237 = arith.muli %parallel_loop3A_234, %parallel_loop3A_236 : i32
      %parallel_loop3A_238 = arith.index_cast %parallel_loop3A_237 : i32 to index
      %parallel_loop3A_239 = tpu.vector_load %arg6[%parallel_loop3A_238] {strides = array<i32>} : memref<4096xi32, #tpu.memory_space<vmem>>, vector<16xi32>,
      %parallel_loop3A_240 = vector.bitcast %parallel_loop3A_239 : vector<16xi32> to vector<32xi16>
      %parallel_loop3A_241 = arith.index_cast %parallel_loop3A_237 : i32 to index
      %parallel_loop3A_242 = tpu.vector_load %arg7[%parallel_loop3A_241] {strides = array<i32>} : memref<4096xi32, #tpu.memory_space<vmem>>, vector<16xi32>,
      %parallel_loop3A_243 = arith.subi %parallel_loop3A_240, %bitcast3A : vector<32xi16>
      %parallel_loop3A_244 = vector.bitcast %parallel_loop3A_243 : vector<32xi16> to vector<16xi32>
      %parallel_loop3A_245 = arith.constant 15 : i32
      %parallel_loop3A_246 = vector.broadcast %parallel_loop3A_245 : i32 to vector<16xi32>
      %parallel_loop3A_247 = arith.shrsi %parallel_loop3A_244, %parallel_loop3A_246 : vector<16xi32>
      %parallel_loop3A_248 = arith.constant 65537 : i32
      %parallel_loop3A_249 = vector.broadcast %parallel_loop3A_248 : i32 to vector<16xi32>
      %parallel_loop3A_250 = arith.andi %parallel_loop3A_247, %parallel_loop3A_249 : vector<16xi32>
      %parallel_loop3A_251 = arith.subi %bitcast3A, %parallel_loop3A_240 : vector<32xi16>
      %parallel_loop3A_252 = vector.bitcast %parallel_loop3A_251 : vector<32xi16> to vector<16xi32>
      %parallel_loop3A_253 = arith.constant 15 : i32
      %parallel_loop3A_254 = vector.broadcast %parallel_loop3A_253 : i32 to vector<16xi32>
      %parallel_loop3A_255 = arith.shrsi %parallel_loop3A_252, %parallel_loop3A_254 : vector<16xi32>
      %parallel_loop3A_256 = arith.constant 65537 : i32
      %parallel_loop3A_257 = vector.broadcast %parallel_loop3A_256 : i32 to vector<16xi32>
      %parallel_loop3A_258 = arith.andi %parallel_loop3A_255, %parallel_loop3A_257 : vector<16xi32>
      %parallel_loop3A_259 = arith.constant 16 : i32
      %parallel_loop3A_260 = vector.broadcast %parallel_loop3A_259 : i32 to vector<16xi32>
      %parallel_loop3A_261 = arith.shli %parallel_loop3A_250, %parallel_loop3A_260 : vector<16xi32>
      %parallel_loop3A_262 = arith.subi %parallel_loop3A_261, %parallel_loop3A_250 : vector<16xi32>
      %parallel_loop3A_263 = arith.constant 16 : i32
      %parallel_loop3A_264 = vector.broadcast %parallel_loop3A_263 : i32 to vector<16xi32>
      %parallel_loop3A_265 = arith.shli %parallel_loop3A_258, %parallel_loop3A_264 : vector<16xi32>
      %parallel_loop3A_266 = arith.subi %parallel_loop3A_265, %parallel_loop3A_258 : vector<16xi32>
      %parallel_loop3A_267 = arith.ori %parallel_loop3A_262, %parallel_loop3A_266 : vector<16xi32>
      %parallel_loop3A_268 = arith.constant dense<-1> : vector<16xi32>
      %parallel_loop3A_269 = arith.xori %parallel_loop3A_267, %parallel_loop3A_268 : vector<16xi32>
      %parallel_loop3A_270 = arith.andi %parallel_loop3A_242, %parallel_loop3A_269 : vector<16xi32>
      %parallel_loop3A_271 = arith.constant 2147450879 : i32
      %parallel_loop3A_272 = vector.broadcast %parallel_loop3A_271 : i32 to vector<16xi32>
      %parallel_loop3A_273 = arith.andi %parallel_loop3A_266, %parallel_loop3A_272 : vector<16xi32>
      %parallel_loop3A_274 = arith.ori %parallel_loop3A_270, %parallel_loop3A_273 : vector<16xi32>
      %parallel_loop3A_275 = arith.ori %parallel_loop3A_274, %parallel_loop3A_262 : vector<16xi32>
      %parallel_loop3A_276 = arith.index_cast %parallel_loop3A_237 : i32 to index
      %parallel_loop3A_277 = tpu.vector_load %arg7[%parallel_loop3A_276] {strides = array<i32>} : memref<4096xi32, #tpu.memory_space<vmem>>, vector<16xi32>,
      tpu.vector_store %arg7[%parallel_loop3A_276], %parallel_loop3A_275 {strides = array<i32>} : memref<4096xi32, #tpu.memory_space<vmem>>, vector<16xi32>,
      scf.yield %parallel_loop3A_235 : i32
    } {sc.loop_unroll_factor = 8 : i64, sc.parallel_access}
    "tpu.trace_stop"() : () -> ()
    "tpu.trace_start"() <{level = 10 : i32, message = "ph_losearch"}> : () -> ()
    %scan3A_42 = arith.constant 0 : i32
    %scan3A_43 = arith.constant 15 : i32
    %scan3A_44 = arith.addi %scan3A_42, %scan3A_43 : i32
    %scan3A_45 = arith.constant 1 : i32
    %scan3A_46 = scf.for %scan3A_234 = %scan3A_42 to %scan3A_44 step %scan3A_45 iter_args(%scan3A_235 = %broadcast_in_dim3A_3) -> (vector<16xi32>)  : i32 {
      %sub3A = arith.constant 14 : i32
      %sub3A_236 = arith.subi %sub3A, %scan3A_234 : i32
      %broadcast_in_dim3A_237 = vector.broadcast %sub3A_236 : i32 to vector<16xi32>
      %shift_left3A_238 = arith.shli %broadcast_in_dim3A_1, %broadcast_in_dim3A_237 : vector<16xi32>
      %or3A_239 = arith.ori %scan3A_235, %shift_left3A_238 : vector<16xi32>
      %shift_left3A_240 = arith.constant 16 : i32
      %shift_left3A_241 = vector.broadcast %shift_left3A_240 : i32 to vector<16xi32>
      %shift_left3A_242 = arith.shli %or3A_239, %shift_left3A_241 : vector<16xi32>
      %or3A_243 = arith.ori %or3A_239, %shift_left3A_242 : vector<16xi32>
      %bitcast3A_244 = vector.bitcast %or3A_243 : vector<16xi32> to vector<32xi16>
      %parallel_loop3A_245 = arith.constant 0 : i32
      %parallel_loop3A_246 = arith.constant 256 : i32
      %parallel_loop3A_247 = arith.constant 1 : i32
      %parallel_loop3A_248 = scf.for %parallel_loop3A_301 = %parallel_loop3A_245 to %parallel_loop3A_246 step %parallel_loop3A_247 iter_args(%parallel_loop3A_302 = %broadcast_in_dim3A_3) -> (vector<16xi32>)  : i32 {
        %parallel_loop3A_303 = arith.constant 16 : i32
        %parallel_loop3A_304 = arith.muli %parallel_loop3A_301, %parallel_loop3A_303 : i32
        %parallel_loop3A_305 = arith.index_cast %parallel_loop3A_304 : i32 to index
        %parallel_loop3A_306 = tpu.vector_load %arg7[%parallel_loop3A_305] {strides = array<i32>} : memref<4096xi32, #tpu.memory_space<vmem>>, vector<16xi32>,
        %parallel_loop3A_307 = vector.bitcast %parallel_loop3A_306 : vector<16xi32> to vector<32xi16>
        %parallel_loop3A_308 = arith.subi %parallel_loop3A_307, %bitcast3A_244 : vector<32xi16>
        %parallel_loop3A_309 = vector.bitcast %parallel_loop3A_308 : vector<32xi16> to vector<16xi32>
        %parallel_loop3A_310 = arith.constant 15 : i32
        %parallel_loop3A_311 = vector.broadcast %parallel_loop3A_310 : i32 to vector<16xi32>
        %parallel_loop3A_312 = arith.shrsi %parallel_loop3A_309, %parallel_loop3A_311 : vector<16xi32>
        %parallel_loop3A_313 = arith.constant 65537 : i32
        %parallel_loop3A_314 = vector.broadcast %parallel_loop3A_313 : i32 to vector<16xi32>
        %parallel_loop3A_315 = arith.andi %parallel_loop3A_312, %parallel_loop3A_314 : vector<16xi32>
        %parallel_loop3A_316 = arith.addi %parallel_loop3A_302, %parallel_loop3A_315 : vector<16xi32>
        scf.yield %parallel_loop3A_316 : vector<16xi32>
      } {sc.loop_unroll_factor = 8 : i64, sc.parallel_access}
      %and3A_249 = arith.constant 65535 : i32
      %and3A_250 = vector.broadcast %and3A_249 : i32 to vector<16xi32>
      %and3A_251 = arith.andi %parallel_loop3A_248, %and3A_250 : vector<16xi32>
      %shift_right_arithmetic3A = arith.constant 16 : i32
      %shift_right_arithmetic3A_252 = vector.broadcast %shift_right_arithmetic3A : i32 to vector<16xi32>
      %shift_right_arithmetic3A_253 = arith.shrsi %parallel_loop3A_248, %shift_right_arithmetic3A_252 : vector<16xi32>
      %add3A_254 = arith.addi %and3A_251, %shift_right_arithmetic3A_253 : vector<16xi32>
      %iota3A_255 = tpu.iota {dimensions = array<i32: 0>} : vector<16xi32>
      %add3A_256 = arith.constant 8 : i32
      %add3A_257 = vector.broadcast %add3A_256 : i32 to vector<16xi32>
      %add3A_258 = arith.addi %iota3A_255, %add3A_257 : vector<16xi32>
      %and3A_259 = arith.constant 15 : i32
      %and3A_260 = vector.broadcast %and3A_259 : i32 to vector<16xi32>
      %and3A_261 = arith.andi %add3A_258, %and3A_260 : vector<16xi32>
      %broadcast_in_dim3A_262 = vector.shape_cast %and3A_261 : vector<16xi32> to vector<16x1xi32>
      %gather3A_263 = vector.shape_cast %broadcast_in_dim3A_262 : vector<16x1xi32> to vector<16xi32>
      %gather3A_264 = tpu.dynamic_gather %add3A_254[%gather3A_263] in [0] : vector<16xi32>, vector<16xi32> -> vector<16xi32>
      %add3A_265 = arith.addi %add3A_254, %gather3A_264 : vector<16xi32>
      %add3A_266 = arith.constant 4 : i32
      %add3A_267 = vector.broadcast %add3A_266 : i32 to vector<16xi32>
      %add3A_268 = arith.addi %iota3A_255, %add3A_267 : vector<16xi32>
      %and3A_269 = arith.constant 15 : i32
      %and3A_270 = vector.broadcast %and3A_269 : i32 to vector<16xi32>
      %and3A_271 = arith.andi %add3A_268, %and3A_270 : vector<16xi32>
      %broadcast_in_dim3A_272 = vector.shape_cast %and3A_271 : vector<16xi32> to vector<16x1xi32>
      %gather3A_273 = vector.shape_cast %broadcast_in_dim3A_272 : vector<16x1xi32> to vector<16xi32>
      %gather3A_274 = tpu.dynamic_gather %add3A_265[%gather3A_273] in [0] : vector<16xi32>, vector<16xi32> -> vector<16xi32>
      %add3A_275 = arith.addi %add3A_265, %gather3A_274 : vector<16xi32>
      %add3A_276 = arith.constant 2 : i32
      %add3A_277 = vector.broadcast %add3A_276 : i32 to vector<16xi32>
      %add3A_278 = arith.addi %iota3A_255, %add3A_277 : vector<16xi32>
      %and3A_279 = arith.constant 15 : i32
      %and3A_280 = vector.broadcast %and3A_279 : i32 to vector<16xi32>
      %and3A_281 = arith.andi %add3A_278, %and3A_280 : vector<16xi32>
      %broadcast_in_dim3A_282 = vector.shape_cast %and3A_281 : vector<16xi32> to vector<16x1xi32>
      %gather3A_283 = vector.shape_cast %broadcast_in_dim3A_282 : vector<16x1xi32> to vector<16xi32>
      %gather3A_284 = tpu.dynamic_gather %add3A_275[%gather3A_283] in [0] : vector<16xi32>, vector<16xi32> -> vector<16xi32>
      %add3A_285 = arith.addi %add3A_275, %gather3A_284 : vector<16xi32>
      %add3A_286 = arith.constant 1 : i32
      %add3A_287 = vector.broadcast %add3A_286 : i32 to vector<16xi32>
      %add3A_288 = arith.addi %iota3A_255, %add3A_287 : vector<16xi32>
      %and3A_289 = arith.constant 15 : i32
      %and3A_290 = vector.broadcast %and3A_289 : i32 to vector<16xi32>
      %and3A_291 = arith.andi %add3A_288, %and3A_290 : vector<16xi32>
      %broadcast_in_dim3A_292 = vector.shape_cast %and3A_291 : vector<16xi32> to vector<16x1xi32>
      %gather3A_293 = vector.shape_cast %broadcast_in_dim3A_292 : vector<16x1xi32> to vector<16xi32>
      %gather3A_294 = tpu.dynamic_gather %add3A_285[%gather3A_293] in [0] : vector<16xi32>, vector<16xi32> -> vector<16xi32>
      %add3A_295 = arith.addi %add3A_285, %gather3A_294 : vector<16xi32>
      %sub3A_296 = arith.constant 8192 : i32
      %sub3A_297 = vector.broadcast %sub3A_296 : i32 to vector<16xi32>
      %sub3A_298 = arith.subi %sub3A_297, %add3A_295 : vector<16xi32>
      %ge3A_299 = arith.cmpi sge, %sub3A_298, %broadcast_in_dim3A_5 : vector<16xi32>
      %select_n3A_300 = arith.select %ge3A_299, %or3A_239, %scan3A_235 : vector<16xi1>, vector<16xi32>
      scf.yield %select_n3A_300 : vector<16xi32>
    }
    %scan3A_47 = arith.constant 15 : i32
    "tpu.trace_stop"() : () -> ()
    %shift_left3A_48 = arith.constant 16 : i32
    %shift_left3A_49 = vector.broadcast %shift_left3A_48 : i32 to vector<16xi32>
    %shift_left3A_50 = arith.shli %scan3A_33, %shift_left3A_49 : vector<16xi32>
    %shift_left3A_51 = arith.constant 1 : i32
    %shift_left3A_52 = vector.broadcast %shift_left3A_51 : i32 to vector<16xi32>
    %shift_left3A_53 = arith.shli %scan3A_46, %shift_left3A_52 : vector<16xi32>
    %or3A_54 = arith.ori %shift_left3A_50, %shift_left3A_53 : vector<16xi32>
    %or3A_55 = arith.constant 1 : i32
    %or3A_56 = vector.broadcast %or3A_55 : i32 to vector<16xi32>
    %or3A_57 = arith.ori %or3A_54, %or3A_56 : vector<16xi32>
    %parallel_loop3A_58 = arith.constant 0 : i32
    %parallel_loop3A_59 = arith.constant 512 : i32
    %parallel_loop3A_60 = arith.constant 1 : i32
    "tpu.trace_start"() <{level = 10 : i32, message = "ph_lastbit"}> : () -> ()
    %parallel_loop3A_61 = scf.for %parallel_loop3A_234 = %parallel_loop3A_58 to %parallel_loop3A_59 step %parallel_loop3A_60 iter_args(%parallel_loop3A_235 = %broadcast_in_dim3A_3) -> (vector<16xi32>)  : i32 {
      %parallel_loop3A_236 = arith.constant 16 : i32
      %parallel_loop3A_237 = arith.muli %parallel_loop3A_234, %parallel_loop3A_236 : i32
      %parallel_loop3A_238 = arith.index_cast %parallel_loop3A_237 : i32 to index
      %parallel_loop3A_239 = tpu.vector_load %arg4[%parallel_loop3A_238] {strides = array<i32>} : memref<8192xf32, #tpu.memory_space<vmem>>, vector<16xf32>,
      %parallel_loop3A_240 = math.absf %parallel_loop3A_239 : vector<16xf32>
      %parallel_loop3A_241 = tpu.bitcast %parallel_loop3A_240 : vector<16xf32> -> vector<16xi32>
      %parallel_loop3A_242 = arith.cmpi sge, %parallel_loop3A_241, %or3A_57 : vector<16xi32>
      %parallel_loop3A_243 = arith.select %parallel_loop3A_242, %broadcast_in_dim3A_1, %broadcast_in_dim3A_3 : vector<16xi1>, vector<16xi32>
      %parallel_loop3A_244 = arith.addi %parallel_loop3A_235, %parallel_loop3A_243 : vector<16xi32>
      scf.yield %parallel_loop3A_244 : vector<16xi32>
    } {sc.loop_unroll_factor = 8 : i64, sc.parallel_access}
    "tpu.trace_stop"() : () -> ()
    %iota3A = tpu.iota {dimensions = array<i32: 0>} : vector<16xi32>
    %add3A_62 = arith.constant 8 : i32
    %add3A_63 = vector.broadcast %add3A_62 : i32 to vector<16xi32>
    %add3A_64 = arith.addi %iota3A, %add3A_63 : vector<16xi32>
    %and3A = arith.constant 15 : i32
    %and3A_65 = vector.broadcast %and3A : i32 to vector<16xi32>
    %and3A_66 = arith.andi %add3A_64, %and3A_65 : vector<16xi32>
    %broadcast_in_dim3A_67 = vector.shape_cast %and3A_66 : vector<16xi32> to vector<16x1xi32>
    %gather3A = vector.shape_cast %broadcast_in_dim3A_67 : vector<16x1xi32> to vector<16xi32>
    %gather3A_68 = tpu.dynamic_gather %parallel_loop3A_61[%gather3A] in [0] : vector<16xi32>, vector<16xi32> -> vector<16xi32>
    %add3A_69 = arith.addi %parallel_loop3A_61, %gather3A_68 : vector<16xi32>
    %add3A_70 = arith.constant 4 : i32
    %add3A_71 = vector.broadcast %add3A_70 : i32 to vector<16xi32>
    %add3A_72 = arith.addi %iota3A, %add3A_71 : vector<16xi32>
    %and3A_73 = arith.constant 15 : i32
    %and3A_74 = vector.broadcast %and3A_73 : i32 to vector<16xi32>
    %and3A_75 = arith.andi %add3A_72, %and3A_74 : vector<16xi32>
    %broadcast_in_dim3A_76 = vector.shape_cast %and3A_75 : vector<16xi32> to vector<16x1xi32>
    %gather3A_77 = vector.shape_cast %broadcast_in_dim3A_76 : vector<16x1xi32> to vector<16xi32>
    %gather3A_78 = tpu.dynamic_gather %add3A_69[%gather3A_77] in [0] : vector<16xi32>, vector<16xi32> -> vector<16xi32>
    %add3A_79 = arith.addi %add3A_69, %gather3A_78 : vector<16xi32>
    %add3A_80 = arith.constant 2 : i32
    %add3A_81 = vector.broadcast %add3A_80 : i32 to vector<16xi32>
    %add3A_82 = arith.addi %iota3A, %add3A_81 : vector<16xi32>
    %and3A_83 = arith.constant 15 : i32
    %and3A_84 = vector.broadcast %and3A_83 : i32 to vector<16xi32>
    %and3A_85 = arith.andi %add3A_82, %and3A_84 : vector<16xi32>
    %broadcast_in_dim3A_86 = vector.shape_cast %and3A_85 : vector<16xi32> to vector<16x1xi32>
    %gather3A_87 = vector.shape_cast %broadcast_in_dim3A_86 : vector<16x1xi32> to vector<16xi32>
    %gather3A_88 = tpu.dynamic_gather %add3A_79[%gather3A_87] in [0] : vector<16xi32>, vector<16xi32> -> vector<16xi32>
    %add3A_89 = arith.addi %add3A_79, %gather3A_88 : vector<16xi32>
    %add3A_90 = arith.constant 1 : i32
    %add3A_91 = vector.broadcast %add3A_90 : i32 to vector<16xi32>
    %add3A_92 = arith.addi %iota3A, %add3A_91 : vector<16xi32>
    %and3A_93 = arith.constant 15 : i32
    %and3A_94 = vector.broadcast %and3A_93 : i32 to vector<16xi32>
    %and3A_95 = arith.andi %add3A_92, %and3A_94 : vector<16xi32>
    %broadcast_in_dim3A_96 = vector.shape_cast %and3A_95 : vector<16xi32> to vector<16x1xi32>
    %gather3A_97 = vector.shape_cast %broadcast_in_dim3A_96 : vector<16x1xi32> to vector<16xi32>
    %gather3A_98 = tpu.dynamic_gather %add3A_89[%gather3A_97] in [0] : vector<16xi32>, vector<16xi32> -> vector<16xi32>
    %add3A_99 = arith.addi %add3A_89, %gather3A_98 : vector<16xi32>
    %ge3A = arith.cmpi sge, %add3A_99, %broadcast_in_dim3A_5 : vector<16xi32>
    %and3A_100 = arith.constant -2 : i32
    %and3A_101 = vector.broadcast %and3A_100 : i32 to vector<16xi32>
    %and3A_102 = arith.andi %or3A_57, %and3A_101 : vector<16xi32>
    %select_n3A = arith.select %ge3A, %or3A_57, %and3A_102 : vector<16xi1>, vector<16xi32>
    %parallel_loop3A_103 = arith.constant 0 : i32
    %parallel_loop3A_104 = arith.constant 512 : i32
    %parallel_loop3A_105 = arith.constant 1 : i32
    %parallel_loop3A_106 = arith.constant 0 : i32
    "tpu.trace_start"() <{level = 10 : i32, message = "ph_mask"}> : () -> ()
    %parallel_loop3A_107 = scf.for %parallel_loop3A_234 = %parallel_loop3A_103 to %parallel_loop3A_104 step %parallel_loop3A_105 iter_args(%parallel_loop3A_235 = %parallel_loop3A_106) -> (i32)  : i32 {
      %parallel_loop3A_236 = arith.constant 16 : i32
      %parallel_loop3A_237 = arith.muli %parallel_loop3A_234, %parallel_loop3A_236 : i32
      %parallel_loop3A_238 = arith.index_cast %parallel_loop3A_237 : i32 to index
      %parallel_loop3A_239 = tpu.vector_load %arg4[%parallel_loop3A_238] {strides = array<i32>} : memref<8192xf32, #tpu.memory_space<vmem>>, vector<16xf32>,
      %parallel_loop3A_240 = math.absf %parallel_loop3A_239 : vector<16xf32>
      %parallel_loop3A_241 = tpu.bitcast %parallel_loop3A_240 : vector<16xf32> -> vector<16xi32>
      %parallel_loop3A_242 = arith.cmpi sge, %parallel_loop3A_241, %select_n3A : vector<16xi32>
      %parallel_loop3A_243 = arith.constant 0.000000e+00 : f32
      %parallel_loop3A_244 = vector.broadcast %parallel_loop3A_243 : f32 to vector<16xf32>
      %parallel_loop3A_245 = arith.select %parallel_loop3A_242, %parallel_loop3A_239, %parallel_loop3A_244 : vector<16xi1>, vector<16xf32>
      %parallel_loop3A_246 = arith.constant 16 : i32
      %parallel_loop3A_247 = arith.muli %parallel_loop3A_234, %parallel_loop3A_246 : i32
      %parallel_loop3A_248 = arith.index_cast %parallel_loop3A_247 : i32 to index
      %parallel_loop3A_249 = tpu.vector_load %arg4[%parallel_loop3A_248] {strides = array<i32>} : memref<8192xf32, #tpu.memory_space<vmem>>, vector<16xf32>,
      tpu.vector_store %arg4[%parallel_loop3A_248], %parallel_loop3A_245 {strides = array<i32>} : memref<8192xf32, #tpu.memory_space<vmem>>, vector<16xf32>,
      scf.yield %parallel_loop3A_235 : i32
    } {sc.loop_unroll_factor = 8 : i64, sc.parallel_access}
    "tpu.trace_stop"() : () -> ()
    %add3A_108 = arith.constant 0 : i32
    %add3A_109 = arith.addi %mul3A_7, %add3A_108 : i32
    %dma_start3A_110 = arith.constant 0 : i32
    %dma_start3A_111 = tpu.memref_slice %arg3[%add3A_109, %dma_start3A_110] : memref<64x8192xf32, #tpu.memory_space<hbm>> -> memref<1x8192xf32, #tpu.memory_space<hbm>>
    %dma_start3A_112 = tpu.memref_squeeze %dma_start3A_111 : memref<1x8192xf32, #tpu.memory_space<hbm>> -> memref<8192xf32, #tpu.memory_space<hbm>>
    %dma_start3A_113 = arith.constant 0 : i32
    %dma_start3A_114 = tpu.memref_slice %arg3[%add3A_109, %dma_start3A_113] : memref<64x8192xf32, #tpu.memory_space<hbm>> -> memref<1x8192xf32, #tpu.memory_space<hbm>>
    %dma_start3A_115 = tpu.memref_squeeze %dma_start3A_114 : memref<1x8192xf32, #tpu.memory_space<hbm>> -> memref<8192xf32, #tpu.memory_space<hbm>>
    tpu.enqueue_dma source(%arg4 : memref<8192xf32, #tpu.memory_space<vmem>>) target(%dma_start3A_115 : memref<8192xf32, #tpu.memory_space<hbm>>) target_semaphore(%arg10 : memref<!tpu.dma_semaphore, #tpu.memory_space<semaphore_mem>>)
    %dma_wait3A_116 = arith.constant 0 : i32
    %dma_wait3A_117 = tpu.memref_slice %arg2[%add3A_9, %dma_wait3A_116] : memref<64x8192xf32, #tpu.memory_space<hbm>> -> memref<1x8192xf32, #tpu.memory_space<hbm>>
    %dma_wait3A_118 = tpu.memref_squeeze %dma_wait3A_117 : memref<1x8192xf32, #tpu.memory_space<hbm>> -> memref<8192xf32, #tpu.memory_space<hbm>>
    %dma_wait3A_119 = arith.constant 0 : i32
    %dma_wait3A_120 = tpu.memref_slice %arg2[%add3A_9, %dma_wait3A_119] : memref<64x8192xf32, #tpu.memory_space<hbm>> -> memref<1x8192xf32, #tpu.memory_space<hbm>>
    %dma_wait3A_121 = tpu.memref_squeeze %dma_wait3A_120 : memref<1x8192xf32, #tpu.memory_space<hbm>> -> memref<8192xf32, #tpu.memory_space<hbm>>
    tpu.wait_dma2 semaphore(%arg9 : memref<!tpu.dma_semaphore, #tpu.memory_space<semaphore_mem>>) src(%dma_wait3A_121 : memref<8192xf32, #tpu.memory_space<hbm>>) dst(%arg5 : memref<8192xf32, #tpu.memory_space<vmem>>)
    %parallel_loop3A_122 = arith.constant 0 : i32
    %parallel_loop3A_123 = arith.constant 256 : i32
    %parallel_loop3A_124 = arith.constant 1 : i32
    %parallel_loop3A_125 = arith.constant 0 : i32
    "tpu.trace_start"() <{level = 10 : i32, message = "ph_prep"}> : () -> ()
    %parallel_loop3A_126 = scf.for %parallel_loop3A_234 = %parallel_loop3A_122 to %parallel_loop3A_123 step %parallel_loop3A_124 iter_args(%parallel_loop3A_235 = %parallel_loop3A_125) -> (i32)  : i32 {
      %parallel_loop3A_236 = arith.constant 32 : i32
      %parallel_loop3A_237 = arith.muli %parallel_loop3A_234, %parallel_loop3A_236 : i32
      %parallel_loop3A_238 = arith.index_cast %parallel_loop3A_237 : i32 to index
      %parallel_loop3A_239 = tpu.vector_load %arg5[%parallel_loop3A_238] {strides = array<i32>} : memref<8192xf32, #tpu.memory_space<vmem>>, vector<16xf32>,
      %parallel_loop3A_240 = math.absf %parallel_loop3A_239 : vector<16xf32>
      %parallel_loop3A_241 = tpu.bitcast %parallel_loop3A_240 : vector<16xf32> -> vector<16xi32>
      %parallel_loop3A_242 = arith.constant 16 : i32
      %parallel_loop3A_243 = arith.addi %parallel_loop3A_237, %parallel_loop3A_242 : i32
      %parallel_loop3A_244 = arith.index_cast %parallel_loop3A_243 : i32 to index
      %parallel_loop3A_245 = tpu.vector_load %arg5[%parallel_loop3A_244] {strides = array<i32>} : memref<8192xf32, #tpu.memory_space<vmem>>, vector<16xf32>,
      %parallel_loop3A_246 = math.absf %parallel_loop3A_245 : vector<16xf32>
      %parallel_loop3A_247 = tpu.bitcast %parallel_loop3A_246 : vector<16xf32> -> vector<16xi32>
      %parallel_loop3A_248 = arith.constant 16 : i32
      %parallel_loop3A_249 = arith.muli %parallel_loop3A_234, %parallel_loop3A_248 : i32
      %parallel_loop3A_250 = arith.constant 16 : i32
      %parallel_loop3A_251 = vector.broadcast %parallel_loop3A_250 : i32 to vector<16xi32>
      %parallel_loop3A_252 = arith.shrsi %parallel_loop3A_241, %parallel_loop3A_251 : vector<16xi32>
      %parallel_loop3A_253 = arith.constant 2147418112 : i32
      %parallel_loop3A_254 = vector.broadcast %parallel_loop3A_253 : i32 to vector<16xi32>
      %parallel_loop3A_255 = arith.andi %parallel_loop3A_247, %parallel_loop3A_254 : vector<16xi32>
      %parallel_loop3A_256 = arith.ori %parallel_loop3A_252, %parallel_loop3A_255 : vector<16xi32>
      %parallel_loop3A_257 = arith.index_cast %parallel_loop3A_249 : i32 to index
      %parallel_loop3A_258 = tpu.vector_load %arg6[%parallel_loop3A_257] {strides = array<i32>} : memref<4096xi32, #tpu.memory_space<vmem>>, vector<16xi32>,
      tpu.vector_store %arg6[%parallel_loop3A_257], %parallel_loop3A_256 {strides = array<i32>} : memref<4096xi32, #tpu.memory_space<vmem>>, vector<16xi32>,
      %parallel_loop3A_259 = arith.constant 1 : i32
      %parallel_loop3A_260 = vector.broadcast %parallel_loop3A_259 : i32 to vector<16xi32>
      %parallel_loop3A_261 = arith.shrsi %parallel_loop3A_241, %parallel_loop3A_260 : vector<16xi32>
      %parallel_loop3A_262 = arith.constant 32767 : i32
      %parallel_loop3A_263 = vector.broadcast %parallel_loop3A_262 : i32 to vector<16xi32>
      %parallel_loop3A_264 = arith.andi %parallel_loop3A_261, %parallel_loop3A_263 : vector<16xi32>
      %parallel_loop3A_265 = arith.constant 15 : i32
      %parallel_loop3A_266 = vector.broadcast %parallel_loop3A_265 : i32 to vector<16xi32>
      %parallel_loop3A_267 = arith.shli %parallel_loop3A_247, %parallel_loop3A_266 : vector<16xi32>
      %parallel_loop3A_268 = arith.constant 2147418112 : i32
      %parallel_loop3A_269 = vector.broadcast %parallel_loop3A_268 : i32 to vector<16xi32>
      %parallel_loop3A_270 = arith.andi %parallel_loop3A_267, %parallel_loop3A_269 : vector<16xi32>
      %parallel_loop3A_271 = arith.ori %parallel_loop3A_264, %parallel_loop3A_270 : vector<16xi32>
      %parallel_loop3A_272 = arith.index_cast %parallel_loop3A_249 : i32 to index
      %parallel_loop3A_273 = tpu.vector_load %arg7[%parallel_loop3A_272] {strides = array<i32>} : memref<4096xi32, #tpu.memory_space<vmem>>, vector<16xi32>,
      tpu.vector_store %arg7[%parallel_loop3A_272], %parallel_loop3A_271 {strides = array<i32>} : memref<4096xi32, #tpu.memory_space<vmem>>, vector<16xi32>,
      scf.yield %parallel_loop3A_235 : i32
    } {sc.loop_unroll_factor = 8 : i64, sc.parallel_access}
    "tpu.trace_stop"() : () -> ()
    "tpu.trace_start"() <{level = 10 : i32, message = "ph_hisearch"}> : () -> ()
    %scan3A_127 = arith.constant 0 : i32
    %scan3A_128 = arith.constant 15 : i32
    %scan3A_129 = arith.addi %scan3A_127, %scan3A_128 : i32
    %scan3A_130 = arith.constant 1 : i32
    %scan3A_131 = scf.for %scan3A_234 = %scan3A_127 to %scan3A_129 step %scan3A_130 iter_args(%scan3A_235 = %broadcast_in_dim3A_3) -> (vector<16xi32>)  : i32 {
      %sub3A = arith.constant 14 : i32
      %sub3A_236 = arith.subi %sub3A, %scan3A_234 : i32
      %broadcast_in_dim3A_237 = vector.broadcast %sub3A_236 : i32 to vector<16xi32>
      %shift_left3A_238 = arith.shli %broadcast_in_dim3A_1, %broadcast_in_dim3A_237 : vector<16xi32>
      %or3A_239 = arith.ori %scan3A_235, %shift_left3A_238 : vector<16xi32>
      %shift_left3A_240 = arith.constant 16 : i32
      %shift_left3A_241 = vector.broadcast %shift_left3A_240 : i32 to vector<16xi32>
      %shift_left3A_242 = arith.shli %or3A_239, %shift_left3A_241 : vector<16xi32>
      %or3A_243 = arith.ori %or3A_239, %shift_left3A_242 : vector<16xi32>
      %bitcast3A_244 = vector.bitcast %or3A_243 : vector<16xi32> to vector<32xi16>
      %parallel_loop3A_245 = arith.constant 0 : i32
      %parallel_loop3A_246 = arith.constant 256 : i32
      %parallel_loop3A_247 = arith.constant 1 : i32
      %parallel_loop3A_248 = scf.for %parallel_loop3A_301 = %parallel_loop3A_245 to %parallel_loop3A_246 step %parallel_loop3A_247 iter_args(%parallel_loop3A_302 = %broadcast_in_dim3A_3) -> (vector<16xi32>)  : i32 {
        %parallel_loop3A_303 = arith.constant 16 : i32
        %parallel_loop3A_304 = arith.muli %parallel_loop3A_301, %parallel_loop3A_303 : i32
        %parallel_loop3A_305 = arith.index_cast %parallel_loop3A_304 : i32 to index
        %parallel_loop3A_306 = tpu.vector_load %arg6[%parallel_loop3A_305] {strides = array<i32>} : memref<4096xi32, #tpu.memory_space<vmem>>, vector<16xi32>,
        %parallel_loop3A_307 = vector.bitcast %parallel_loop3A_306 : vector<16xi32> to vector<32xi16>
        %parallel_loop3A_308 = arith.subi %parallel_loop3A_307, %bitcast3A_244 : vector<32xi16>
        %parallel_loop3A_309 = vector.bitcast %parallel_loop3A_308 : vector<32xi16> to vector<16xi32>
        %parallel_loop3A_310 = arith.constant 15 : i32
        %parallel_loop3A_311 = vector.broadcast %parallel_loop3A_310 : i32 to vector<16xi32>
        %parallel_loop3A_312 = arith.shrsi %parallel_loop3A_309, %parallel_loop3A_311 : vector<16xi32>
        %parallel_loop3A_313 = arith.constant 65537 : i32
        %parallel_loop3A_314 = vector.broadcast %parallel_loop3A_313 : i32 to vector<16xi32>
        %parallel_loop3A_315 = arith.andi %parallel_loop3A_312, %parallel_loop3A_314 : vector<16xi32>
        %parallel_loop3A_316 = arith.addi %parallel_loop3A_302, %parallel_loop3A_315 : vector<16xi32>
        scf.yield %parallel_loop3A_316 : vector<16xi32>
      } {sc.loop_unroll_factor = 8 : i64, sc.parallel_access}
      %and3A_249 = arith.constant 65535 : i32
      %and3A_250 = vector.broadcast %and3A_249 : i32 to vector<16xi32>
      %and3A_251 = arith.andi %parallel_loop3A_248, %and3A_250 : vector<16xi32>
      %shift_right_arithmetic3A = arith.constant 16 : i32
      %shift_right_arithmetic3A_252 = vector.broadcast %shift_right_arithmetic3A : i32 to vector<16xi32>
      %shift_right_arithmetic3A_253 = arith.shrsi %parallel_loop3A_248, %shift_right_arithmetic3A_252 : vector<16xi32>
      %add3A_254 = arith.addi %and3A_251, %shift_right_arithmetic3A_253 : vector<16xi32>
      %iota3A_255 = tpu.iota {dimensions = array<i32: 0>} : vector<16xi32>
      %add3A_256 = arith.constant 8 : i32
      %add3A_257 = vector.broadcast %add3A_256 : i32 to vector<16xi32>
      %add3A_258 = arith.addi %iota3A_255, %add3A_257 : vector<16xi32>
      %and3A_259 = arith.constant 15 : i32
      %and3A_260 = vector.broadcast %and3A_259 : i32 to vector<16xi32>
      %and3A_261 = arith.andi %add3A_258, %and3A_260 : vector<16xi32>
      %broadcast_in_dim3A_262 = vector.shape_cast %and3A_261 : vector<16xi32> to vector<16x1xi32>
      %gather3A_263 = vector.shape_cast %broadcast_in_dim3A_262 : vector<16x1xi32> to vector<16xi32>
      %gather3A_264 = tpu.dynamic_gather %add3A_254[%gather3A_263] in [0] : vector<16xi32>, vector<16xi32> -> vector<16xi32>
      %add3A_265 = arith.addi %add3A_254, %gather3A_264 : vector<16xi32>
      %add3A_266 = arith.constant 4 : i32
      %add3A_267 = vector.broadcast %add3A_266 : i32 to vector<16xi32>
      %add3A_268 = arith.addi %iota3A_255, %add3A_267 : vector<16xi32>
      %and3A_269 = arith.constant 15 : i32
      %and3A_270 = vector.broadcast %and3A_269 : i32 to vector<16xi32>
      %and3A_271 = arith.andi %add3A_268, %and3A_270 : vector<16xi32>
      %broadcast_in_dim3A_272 = vector.shape_cast %and3A_271 : vector<16xi32> to vector<16x1xi32>
      %gather3A_273 = vector.shape_cast %broadcast_in_dim3A_272 : vector<16x1xi32> to vector<16xi32>
      %gather3A_274 = tpu.dynamic_gather %add3A_265[%gather3A_273] in [0] : vector<16xi32>, vector<16xi32> -> vector<16xi32>
      %add3A_275 = arith.addi %add3A_265, %gather3A_274 : vector<16xi32>
      %add3A_276 = arith.constant 2 : i32
      %add3A_277 = vector.broadcast %add3A_276 : i32 to vector<16xi32>
      %add3A_278 = arith.addi %iota3A_255, %add3A_277 : vector<16xi32>
      %and3A_279 = arith.constant 15 : i32
      %and3A_280 = vector.broadcast %and3A_279 : i32 to vector<16xi32>
      %and3A_281 = arith.andi %add3A_278, %and3A_280 : vector<16xi32>
      %broadcast_in_dim3A_282 = vector.shape_cast %and3A_281 : vector<16xi32> to vector<16x1xi32>
      %gather3A_283 = vector.shape_cast %broadcast_in_dim3A_282 : vector<16x1xi32> to vector<16xi32>
      %gather3A_284 = tpu.dynamic_gather %add3A_275[%gather3A_283] in [0] : vector<16xi32>, vector<16xi32> -> vector<16xi32>
      %add3A_285 = arith.addi %add3A_275, %gather3A_284 : vector<16xi32>
      %add3A_286 = arith.constant 1 : i32
      %add3A_287 = vector.broadcast %add3A_286 : i32 to vector<16xi32>
      %add3A_288 = arith.addi %iota3A_255, %add3A_287 : vector<16xi32>
      %and3A_289 = arith.constant 15 : i32
      %and3A_290 = vector.broadcast %and3A_289 : i32 to vector<16xi32>
      %and3A_291 = arith.andi %add3A_288, %and3A_290 : vector<16xi32>
      %broadcast_in_dim3A_292 = vector.shape_cast %and3A_291 : vector<16xi32> to vector<16x1xi32>
      %gather3A_293 = vector.shape_cast %broadcast_in_dim3A_292 : vector<16x1xi32> to vector<16xi32>
      %gather3A_294 = tpu.dynamic_gather %add3A_285[%gather3A_293] in [0] : vector<16xi32>, vector<16xi32> -> vector<16xi32>
      %add3A_295 = arith.addi %add3A_285, %gather3A_294 : vector<16xi32>
      %sub3A_296 = arith.constant 8192 : i32
      %sub3A_297 = vector.broadcast %sub3A_296 : i32 to vector<16xi32>
      %sub3A_298 = arith.subi %sub3A_297, %add3A_295 : vector<16xi32>
      %ge3A_299 = arith.cmpi sge, %sub3A_298, %broadcast_in_dim3A_5 : vector<16xi32>
      %select_n3A_300 = arith.select %ge3A_299, %or3A_239, %scan3A_235 : vector<16xi1>, vector<16xi32>
      scf.yield %select_n3A_300 : vector<16xi32>
    }
    %scan3A_132 = arith.constant 15 : i32
    "tpu.trace_stop"() : () -> ()
    %shift_left3A_133 = arith.constant 16 : i32
    %shift_left3A_134 = vector.broadcast %shift_left3A_133 : i32 to vector<16xi32>
    %shift_left3A_135 = arith.shli %scan3A_131, %shift_left3A_134 : vector<16xi32>
    %or3A_136 = arith.ori %scan3A_131, %shift_left3A_135 : vector<16xi32>
    %bitcast3A_137 = vector.bitcast %or3A_136 : vector<16xi32> to vector<32xi16>
    %parallel_loop3A_138 = arith.constant 0 : i32
    %parallel_loop3A_139 = arith.constant 256 : i32
    %parallel_loop3A_140 = arith.constant 1 : i32
    %parallel_loop3A_141 = arith.constant 0 : i32
    "tpu.trace_start"() <{level = 10 : i32, message = "ph_fold"}> : () -> ()
    %parallel_loop3A_142 = scf.for %parallel_loop3A_234 = %parallel_loop3A_138 to %parallel_loop3A_139 step %parallel_loop3A_140 iter_args(%parallel_loop3A_235 = %parallel_loop3A_141) -> (i32)  : i32 {
      %parallel_loop3A_236 = arith.constant 16 : i32
      %parallel_loop3A_237 = arith.muli %parallel_loop3A_234, %parallel_loop3A_236 : i32
      %parallel_loop3A_238 = arith.index_cast %parallel_loop3A_237 : i32 to index
      %parallel_loop3A_239 = tpu.vector_load %arg6[%parallel_loop3A_238] {strides = array<i32>} : memref<4096xi32, #tpu.memory_space<vmem>>, vector<16xi32>,
      %parallel_loop3A_240 = vector.bitcast %parallel_loop3A_239 : vector<16xi32> to vector<32xi16>
      %parallel_loop3A_241 = arith.index_cast %parallel_loop3A_237 : i32 to index
      %parallel_loop3A_242 = tpu.vector_load %arg7[%parallel_loop3A_241] {strides = array<i32>} : memref<4096xi32, #tpu.memory_space<vmem>>, vector<16xi32>,
      %parallel_loop3A_243 = arith.subi %parallel_loop3A_240, %bitcast3A_137 : vector<32xi16>
      %parallel_loop3A_244 = vector.bitcast %parallel_loop3A_243 : vector<32xi16> to vector<16xi32>
      %parallel_loop3A_245 = arith.constant 15 : i32
      %parallel_loop3A_246 = vector.broadcast %parallel_loop3A_245 : i32 to vector<16xi32>
      %parallel_loop3A_247 = arith.shrsi %parallel_loop3A_244, %parallel_loop3A_246 : vector<16xi32>
      %parallel_loop3A_248 = arith.constant 65537 : i32
      %parallel_loop3A_249 = vector.broadcast %parallel_loop3A_248 : i32 to vector<16xi32>
      %parallel_loop3A_250 = arith.andi %parallel_loop3A_247, %parallel_loop3A_249 : vector<16xi32>
      %parallel_loop3A_251 = arith.subi %bitcast3A_137, %parallel_loop3A_240 : vector<32xi16>
      %parallel_loop3A_252 = vector.bitcast %parallel_loop3A_251 : vector<32xi16> to vector<16xi32>
      %parallel_loop3A_253 = arith.constant 15 : i32
      %parallel_loop3A_254 = vector.broadcast %parallel_loop3A_253 : i32 to vector<16xi32>
      %parallel_loop3A_255 = arith.shrsi %parallel_loop3A_252, %parallel_loop3A_254 : vector<16xi32>
      %parallel_loop3A_256 = arith.constant 65537 : i32
      %parallel_loop3A_257 = vector.broadcast %parallel_loop3A_256 : i32 to vector<16xi32>
      %parallel_loop3A_258 = arith.andi %parallel_loop3A_255, %parallel_loop3A_257 : vector<16xi32>
      %parallel_loop3A_259 = arith.constant 16 : i32
      %parallel_loop3A_260 = vector.broadcast %parallel_loop3A_259 : i32 to vector<16xi32>
      %parallel_loop3A_261 = arith.shli %parallel_loop3A_250, %parallel_loop3A_260 : vector<16xi32>
      %parallel_loop3A_262 = arith.subi %parallel_loop3A_261, %parallel_loop3A_250 : vector<16xi32>
      %parallel_loop3A_263 = arith.constant 16 : i32
      %parallel_loop3A_264 = vector.broadcast %parallel_loop3A_263 : i32 to vector<16xi32>
      %parallel_loop3A_265 = arith.shli %parallel_loop3A_258, %parallel_loop3A_264 : vector<16xi32>
      %parallel_loop3A_266 = arith.subi %parallel_loop3A_265, %parallel_loop3A_258 : vector<16xi32>
      %parallel_loop3A_267 = arith.ori %parallel_loop3A_262, %parallel_loop3A_266 : vector<16xi32>
      %parallel_loop3A_268 = arith.constant dense<-1> : vector<16xi32>
      %parallel_loop3A_269 = arith.xori %parallel_loop3A_267, %parallel_loop3A_268 : vector<16xi32>
      %parallel_loop3A_270 = arith.andi %parallel_loop3A_242, %parallel_loop3A_269 : vector<16xi32>
      %parallel_loop3A_271 = arith.constant 2147450879 : i32
      %parallel_loop3A_272 = vector.broadcast %parallel_loop3A_271 : i32 to vector<16xi32>
      %parallel_loop3A_273 = arith.andi %parallel_loop3A_266, %parallel_loop3A_272 : vector<16xi32>
      %parallel_loop3A_274 = arith.ori %parallel_loop3A_270, %parallel_loop3A_273 : vector<16xi32>
      %parallel_loop3A_275 = arith.ori %parallel_loop3A_274, %parallel_loop3A_262 : vector<16xi32>
      %parallel_loop3A_276 = arith.index_cast %parallel_loop3A_237 : i32 to index
      %parallel_loop3A_277 = tpu.vector_load %arg7[%parallel_loop3A_276] {strides = array<i32>} : memref<4096xi32, #tpu.memory_space<vmem>>, vector<16xi32>,
      tpu.vector_store %arg7[%parallel_loop3A_276], %parallel_loop3A_275 {strides = array<i32>} : memref<4096xi32, #tpu.memory_space<vmem>>, vector<16xi32>,
      scf.yield %parallel_loop3A_235 : i32
    } {sc.loop_unroll_factor = 8 : i64, sc.parallel_access}
    "tpu.trace_stop"() : () -> ()
    "tpu.trace_start"() <{level = 10 : i32, message = "ph_losearch"}> : () -> ()
    %scan3A_143 = arith.constant 0 : i32
    %scan3A_144 = arith.constant 15 : i32
    %scan3A_145 = arith.addi %scan3A_143, %scan3A_144 : i32
    %scan3A_146 = arith.constant 1 : i32
    %scan3A_147 = scf.for %scan3A_234 = %scan3A_143 to %scan3A_145 step %scan3A_146 iter_args(%scan3A_235 = %broadcast_in_dim3A_3) -> (vector<16xi32>)  : i32 {
      %sub3A = arith.constant 14 : i32
      %sub3A_236 = arith.subi %sub3A, %scan3A_234 : i32
      %broadcast_in_dim3A_237 = vector.broadcast %sub3A_236 : i32 to vector<16xi32>
      %shift_left3A_238 = arith.shli %broadcast_in_dim3A_1, %broadcast_in_dim3A_237 : vector<16xi32>
      %or3A_239 = arith.ori %scan3A_235, %shift_left3A_238 : vector<16xi32>
      %shift_left3A_240 = arith.constant 16 : i32
      %shift_left3A_241 = vector.broadcast %shift_left3A_240 : i32 to vector<16xi32>
      %shift_left3A_242 = arith.shli %or3A_239, %shift_left3A_241 : vector<16xi32>
      %or3A_243 = arith.ori %or3A_239, %shift_left3A_242 : vector<16xi32>
      %bitcast3A_244 = vector.bitcast %or3A_243 : vector<16xi32> to vector<32xi16>
      %parallel_loop3A_245 = arith.constant 0 : i32
      %parallel_loop3A_246 = arith.constant 256 : i32
      %parallel_loop3A_247 = arith.constant 1 : i32
      %parallel_loop3A_248 = scf.for %parallel_loop3A_301 = %parallel_loop3A_245 to %parallel_loop3A_246 step %parallel_loop3A_247 iter_args(%parallel_loop3A_302 = %broadcast_in_dim3A_3) -> (vector<16xi32>)  : i32 {
        %parallel_loop3A_303 = arith.constant 16 : i32
        %parallel_loop3A_304 = arith.muli %parallel_loop3A_301, %parallel_loop3A_303 : i32
        %parallel_loop3A_305 = arith.index_cast %parallel_loop3A_304 : i32 to index
        %parallel_loop3A_306 = tpu.vector_load %arg7[%parallel_loop3A_305] {strides = array<i32>} : memref<4096xi32, #tpu.memory_space<vmem>>, vector<16xi32>,
        %parallel_loop3A_307 = vector.bitcast %parallel_loop3A_306 : vector<16xi32> to vector<32xi16>
        %parallel_loop3A_308 = arith.subi %parallel_loop3A_307, %bitcast3A_244 : vector<32xi16>
        %parallel_loop3A_309 = vector.bitcast %parallel_loop3A_308 : vector<32xi16> to vector<16xi32>
        %parallel_loop3A_310 = arith.constant 15 : i32
        %parallel_loop3A_311 = vector.broadcast %parallel_loop3A_310 : i32 to vector<16xi32>
        %parallel_loop3A_312 = arith.shrsi %parallel_loop3A_309, %parallel_loop3A_311 : vector<16xi32>
        %parallel_loop3A_313 = arith.constant 65537 : i32
        %parallel_loop3A_314 = vector.broadcast %parallel_loop3A_313 : i32 to vector<16xi32>
        %parallel_loop3A_315 = arith.andi %parallel_loop3A_312, %parallel_loop3A_314 : vector<16xi32>
        %parallel_loop3A_316 = arith.addi %parallel_loop3A_302, %parallel_loop3A_315 : vector<16xi32>
        scf.yield %parallel_loop3A_316 : vector<16xi32>
      } {sc.loop_unroll_factor = 8 : i64, sc.parallel_access}
      %and3A_249 = arith.constant 65535 : i32
      %and3A_250 = vector.broadcast %and3A_249 : i32 to vector<16xi32>
      %and3A_251 = arith.andi %parallel_loop3A_248, %and3A_250 : vector<16xi32>
      %shift_right_arithmetic3A = arith.constant 16 : i32
      %shift_right_arithmetic3A_252 = vector.broadcast %shift_right_arithmetic3A : i32 to vector<16xi32>
      %shift_right_arithmetic3A_253 = arith.shrsi %parallel_loop3A_248, %shift_right_arithmetic3A_252 : vector<16xi32>
      %add3A_254 = arith.addi %and3A_251, %shift_right_arithmetic3A_253 : vector<16xi32>
      %iota3A_255 = tpu.iota {dimensions = array<i32: 0>} : vector<16xi32>
      %add3A_256 = arith.constant 8 : i32
      %add3A_257 = vector.broadcast %add3A_256 : i32 to vector<16xi32>
      %add3A_258 = arith.addi %iota3A_255, %add3A_257 : vector<16xi32>
      %and3A_259 = arith.constant 15 : i32
      %and3A_260 = vector.broadcast %and3A_259 : i32 to vector<16xi32>
      %and3A_261 = arith.andi %add3A_258, %and3A_260 : vector<16xi32>
      %broadcast_in_dim3A_262 = vector.shape_cast %and3A_261 : vector<16xi32> to vector<16x1xi32>
      %gather3A_263 = vector.shape_cast %broadcast_in_dim3A_262 : vector<16x1xi32> to vector<16xi32>
      %gather3A_264 = tpu.dynamic_gather %add3A_254[%gather3A_263] in [0] : vector<16xi32>, vector<16xi32> -> vector<16xi32>
      %add3A_265 = arith.addi %add3A_254, %gather3A_264 : vector<16xi32>
      %add3A_266 = arith.constant 4 : i32
      %add3A_267 = vector.broadcast %add3A_266 : i32 to vector<16xi32>
      %add3A_268 = arith.addi %iota3A_255, %add3A_267 : vector<16xi32>
      %and3A_269 = arith.constant 15 : i32
      %and3A_270 = vector.broadcast %and3A_269 : i32 to vector<16xi32>
      %and3A_271 = arith.andi %add3A_268, %and3A_270 : vector<16xi32>
      %broadcast_in_dim3A_272 = vector.shape_cast %and3A_271 : vector<16xi32> to vector<16x1xi32>
      %gather3A_273 = vector.shape_cast %broadcast_in_dim3A_272 : vector<16x1xi32> to vector<16xi32>
      %gather3A_274 = tpu.dynamic_gather %add3A_265[%gather3A_273] in [0] : vector<16xi32>, vector<16xi32> -> vector<16xi32>
      %add3A_275 = arith.addi %add3A_265, %gather3A_274 : vector<16xi32>
      %add3A_276 = arith.constant 2 : i32
      %add3A_277 = vector.broadcast %add3A_276 : i32 to vector<16xi32>
      %add3A_278 = arith.addi %iota3A_255, %add3A_277 : vector<16xi32>
      %and3A_279 = arith.constant 15 : i32
      %and3A_280 = vector.broadcast %and3A_279 : i32 to vector<16xi32>
      %and3A_281 = arith.andi %add3A_278, %and3A_280 : vector<16xi32>
      %broadcast_in_dim3A_282 = vector.shape_cast %and3A_281 : vector<16xi32> to vector<16x1xi32>
      %gather3A_283 = vector.shape_cast %broadcast_in_dim3A_282 : vector<16x1xi32> to vector<16xi32>
      %gather3A_284 = tpu.dynamic_gather %add3A_275[%gather3A_283] in [0] : vector<16xi32>, vector<16xi32> -> vector<16xi32>
      %add3A_285 = arith.addi %add3A_275, %gather3A_284 : vector<16xi32>
      %add3A_286 = arith.constant 1 : i32
      %add3A_287 = vector.broadcast %add3A_286 : i32 to vector<16xi32>
      %add3A_288 = arith.addi %iota3A_255, %add3A_287 : vector<16xi32>
      %and3A_289 = arith.constant 15 : i32
      %and3A_290 = vector.broadcast %and3A_289 : i32 to vector<16xi32>
      %and3A_291 = arith.andi %add3A_288, %and3A_290 : vector<16xi32>
      %broadcast_in_dim3A_292 = vector.shape_cast %and3A_291 : vector<16xi32> to vector<16x1xi32>
      %gather3A_293 = vector.shape_cast %broadcast_in_dim3A_292 : vector<16x1xi32> to vector<16xi32>
      %gather3A_294 = tpu.dynamic_gather %add3A_285[%gather3A_293] in [0] : vector<16xi32>, vector<16xi32> -> vector<16xi32>
      %add3A_295 = arith.addi %add3A_285, %gather3A_294 : vector<16xi32>
      %sub3A_296 = arith.constant 8192 : i32
      %sub3A_297 = vector.broadcast %sub3A_296 : i32 to vector<16xi32>
      %sub3A_298 = arith.subi %sub3A_297, %add3A_295 : vector<16xi32>
      %ge3A_299 = arith.cmpi sge, %sub3A_298, %broadcast_in_dim3A_5 : vector<16xi32>
      %select_n3A_300 = arith.select %ge3A_299, %or3A_239, %scan3A_235 : vector<16xi1>, vector<16xi32>
      scf.yield %select_n3A_300 : vector<16xi32>
    }
    %scan3A_148 = arith.constant 15 : i32
    "tpu.trace_stop"() : () -> ()
    %shift_left3A_149 = arith.constant 16 : i32
    %shift_left3A_150 = vector.broadcast %shift_left3A_149 : i32 to vector<16xi32>
    %shift_left3A_151 = arith.shli %scan3A_131, %shift_left3A_150 : vector<16xi32>
    %shift_left3A_152 = arith.constant 1 : i32
    %shift_left3A_153 = vector.broadcast %shift_left3A_152 : i32 to vector<16xi32>
    %shift_left3A_154 = arith.shli %scan3A_147, %shift_left3A_153 : vector<16xi32>
    %or3A_155 = arith.ori %shift_left3A_151, %shift_left3A_154 : vector<16xi32>
    %or3A_156 = arith.constant 1 : i32
    %or3A_157 = vector.broadcast %or3A_156 : i32 to vector<16xi32>
    %or3A_158 = arith.ori %or3A_155, %or3A_157 : vector<16xi32>
    %parallel_loop3A_159 = arith.constant 0 : i32
    %parallel_loop3A_160 = arith.constant 512 : i32
    %parallel_loop3A_161 = arith.constant 1 : i32
    "tpu.trace_start"() <{level = 10 : i32, message = "ph_lastbit"}> : () -> ()
    %parallel_loop3A_162 = scf.for %parallel_loop3A_234 = %parallel_loop3A_159 to %parallel_loop3A_160 step %parallel_loop3A_161 iter_args(%parallel_loop3A_235 = %broadcast_in_dim3A_3) -> (vector<16xi32>)  : i32 {
      %parallel_loop3A_236 = arith.constant 16 : i32
      %parallel_loop3A_237 = arith.muli %parallel_loop3A_234, %parallel_loop3A_236 : i32
      %parallel_loop3A_238 = arith.index_cast %parallel_loop3A_237 : i32 to index
      %parallel_loop3A_239 = tpu.vector_load %arg5[%parallel_loop3A_238] {strides = array<i32>} : memref<8192xf32, #tpu.memory_space<vmem>>, vector<16xf32>,
      %parallel_loop3A_240 = math.absf %parallel_loop3A_239 : vector<16xf32>
      %parallel_loop3A_241 = tpu.bitcast %parallel_loop3A_240 : vector<16xf32> -> vector<16xi32>
      %parallel_loop3A_242 = arith.cmpi sge, %parallel_loop3A_241, %or3A_158 : vector<16xi32>
      %parallel_loop3A_243 = arith.select %parallel_loop3A_242, %broadcast_in_dim3A_1, %broadcast_in_dim3A_3 : vector<16xi1>, vector<16xi32>
      %parallel_loop3A_244 = arith.addi %parallel_loop3A_235, %parallel_loop3A_243 : vector<16xi32>
      scf.yield %parallel_loop3A_244 : vector<16xi32>
    } {sc.loop_unroll_factor = 8 : i64, sc.parallel_access}
    "tpu.trace_stop"() : () -> ()
    %iota3A_163 = tpu.iota {dimensions = array<i32: 0>} : vector<16xi32>
    %add3A_164 = arith.constant 8 : i32
    %add3A_165 = vector.broadcast %add3A_164 : i32 to vector<16xi32>
    %add3A_166 = arith.addi %iota3A_163, %add3A_165 : vector<16xi32>
    %and3A_167 = arith.constant 15 : i32
    %and3A_168 = vector.broadcast %and3A_167 : i32 to vector<16xi32>
    %and3A_169 = arith.andi %add3A_166, %and3A_168 : vector<16xi32>
    %broadcast_in_dim3A_170 = vector.shape_cast %and3A_169 : vector<16xi32> to vector<16x1xi32>
    %gather3A_171 = vector.shape_cast %broadcast_in_dim3A_170 : vector<16x1xi32> to vector<16xi32>
    %gather3A_172 = tpu.dynamic_gather %parallel_loop3A_162[%gather3A_171] in [0] : vector<16xi32>, vector<16xi32> -> vector<16xi32>
    %add3A_173 = arith.addi %parallel_loop3A_162, %gather3A_172 : vector<16xi32>
    %add3A_174 = arith.constant 4 : i32
    %add3A_175 = vector.broadcast %add3A_174 : i32 to vector<16xi32>
    %add3A_176 = arith.addi %iota3A_163, %add3A_175 : vector<16xi32>
    %and3A_177 = arith.constant 15 : i32
    %and3A_178 = vector.broadcast %and3A_177 : i32 to vector<16xi32>
    %and3A_179 = arith.andi %add3A_176, %and3A_178 : vector<16xi32>
    %broadcast_in_dim3A_180 = vector.shape_cast %and3A_179 : vector<16xi32> to vector<16x1xi32>
    %gather3A_181 = vector.shape_cast %broadcast_in_dim3A_180 : vector<16x1xi32> to vector<16xi32>
    %gather3A_182 = tpu.dynamic_gather %add3A_173[%gather3A_181] in [0] : vector<16xi32>, vector<16xi32> -> vector<16xi32>
    %add3A_183 = arith.addi %add3A_173, %gather3A_182 : vector<16xi32>
    %add3A_184 = arith.constant 2 : i32
    %add3A_185 = vector.broadcast %add3A_184 : i32 to vector<16xi32>
    %add3A_186 = arith.addi %iota3A_163, %add3A_185 : vector<16xi32>
    %and3A_187 = arith.constant 15 : i32
    %and3A_188 = vector.broadcast %and3A_187 : i32 to vector<16xi32>
    %and3A_189 = arith.andi %add3A_186, %and3A_188 : vector<16xi32>
    %broadcast_in_dim3A_190 = vector.shape_cast %and3A_189 : vector<16xi32> to vector<16x1xi32>
    %gather3A_191 = vector.shape_cast %broadcast_in_dim3A_190 : vector<16x1xi32> to vector<16xi32>
    %gather3A_192 = tpu.dynamic_gather %add3A_183[%gather3A_191] in [0] : vector<16xi32>, vector<16xi32> -> vector<16xi32>
    %add3A_193 = arith.addi %add3A_183, %gather3A_192 : vector<16xi32>
    %add3A_194 = arith.constant 1 : i32
    %add3A_195 = vector.broadcast %add3A_194 : i32 to vector<16xi32>
    %add3A_196 = arith.addi %iota3A_163, %add3A_195 : vector<16xi32>
    %and3A_197 = arith.constant 15 : i32
    %and3A_198 = vector.broadcast %and3A_197 : i32 to vector<16xi32>
    %and3A_199 = arith.andi %add3A_196, %and3A_198 : vector<16xi32>
    %broadcast_in_dim3A_200 = vector.shape_cast %and3A_199 : vector<16xi32> to vector<16x1xi32>
    %gather3A_201 = vector.shape_cast %broadcast_in_dim3A_200 : vector<16x1xi32> to vector<16xi32>
    %gather3A_202 = tpu.dynamic_gather %add3A_193[%gather3A_201] in [0] : vector<16xi32>, vector<16xi32> -> vector<16xi32>
    %add3A_203 = arith.addi %add3A_193, %gather3A_202 : vector<16xi32>
    %ge3A_204 = arith.cmpi sge, %add3A_203, %broadcast_in_dim3A_5 : vector<16xi32>
    %and3A_205 = arith.constant -2 : i32
    %and3A_206 = vector.broadcast %and3A_205 : i32 to vector<16xi32>
    %and3A_207 = arith.andi %or3A_158, %and3A_206 : vector<16xi32>
    %select_n3A_208 = arith.select %ge3A_204, %or3A_158, %and3A_207 : vector<16xi1>, vector<16xi32>
    %parallel_loop3A_209 = arith.constant 0 : i32
    %parallel_loop3A_210 = arith.constant 512 : i32
    %parallel_loop3A_211 = arith.constant 1 : i32
    %parallel_loop3A_212 = arith.constant 0 : i32
    "tpu.trace_start"() <{level = 10 : i32, message = "ph_mask"}> : () -> ()
    %parallel_loop3A_213 = scf.for %parallel_loop3A_234 = %parallel_loop3A_209 to %parallel_loop3A_210 step %parallel_loop3A_211 iter_args(%parallel_loop3A_235 = %parallel_loop3A_212) -> (i32)  : i32 {
      %parallel_loop3A_236 = arith.constant 16 : i32
      %parallel_loop3A_237 = arith.muli %parallel_loop3A_234, %parallel_loop3A_236 : i32
      %parallel_loop3A_238 = arith.index_cast %parallel_loop3A_237 : i32 to index
      %parallel_loop3A_239 = tpu.vector_load %arg5[%parallel_loop3A_238] {strides = array<i32>} : memref<8192xf32, #tpu.memory_space<vmem>>, vector<16xf32>,
      %parallel_loop3A_240 = math.absf %parallel_loop3A_239 : vector<16xf32>
      %parallel_loop3A_241 = tpu.bitcast %parallel_loop3A_240 : vector<16xf32> -> vector<16xi32>
      %parallel_loop3A_242 = arith.cmpi sge, %parallel_loop3A_241, %select_n3A_208 : vector<16xi32>
      %parallel_loop3A_243 = arith.constant 0.000000e+00 : f32
      %parallel_loop3A_244 = vector.broadcast %parallel_loop3A_243 : f32 to vector<16xf32>
      %parallel_loop3A_245 = arith.select %parallel_loop3A_242, %parallel_loop3A_239, %parallel_loop3A_244 : vector<16xi1>, vector<16xf32>
      %parallel_loop3A_246 = arith.constant 16 : i32
      %parallel_loop3A_247 = arith.muli %parallel_loop3A_234, %parallel_loop3A_246 : i32
      %parallel_loop3A_248 = arith.index_cast %parallel_loop3A_247 : i32 to index
      %parallel_loop3A_249 = tpu.vector_load %arg5[%parallel_loop3A_248] {strides = array<i32>} : memref<8192xf32, #tpu.memory_space<vmem>>, vector<16xf32>,
      tpu.vector_store %arg5[%parallel_loop3A_248], %parallel_loop3A_245 {strides = array<i32>} : memref<8192xf32, #tpu.memory_space<vmem>>, vector<16xf32>,
      scf.yield %parallel_loop3A_235 : i32
    } {sc.loop_unroll_factor = 8 : i64, sc.parallel_access}
    "tpu.trace_stop"() : () -> ()
    %add3A_214 = arith.constant 1 : i32
    %add3A_215 = arith.addi %mul3A_7, %add3A_214 : i32
    %dma_start3A_216 = arith.constant 0 : i32
    %dma_start3A_217 = tpu.memref_slice %arg3[%add3A_215, %dma_start3A_216] : memref<64x8192xf32, #tpu.memory_space<hbm>> -> memref<1x8192xf32, #tpu.memory_space<hbm>>
    %dma_start3A_218 = tpu.memref_squeeze %dma_start3A_217 : memref<1x8192xf32, #tpu.memory_space<hbm>> -> memref<8192xf32, #tpu.memory_space<hbm>>
    %dma_start3A_219 = arith.constant 0 : i32
    %dma_start3A_220 = tpu.memref_slice %arg3[%add3A_215, %dma_start3A_219] : memref<64x8192xf32, #tpu.memory_space<hbm>> -> memref<1x8192xf32, #tpu.memory_space<hbm>>
    %dma_start3A_221 = tpu.memref_squeeze %dma_start3A_220 : memref<1x8192xf32, #tpu.memory_space<hbm>> -> memref<8192xf32, #tpu.memory_space<hbm>>
    tpu.enqueue_dma source(%arg5 : memref<8192xf32, #tpu.memory_space<vmem>>) target(%dma_start3A_221 : memref<8192xf32, #tpu.memory_space<hbm>>) target_semaphore(%arg10 : memref<!tpu.dma_semaphore, #tpu.memory_space<semaphore_mem>>)
    %dma_wait3A_222 = arith.constant 0 : i32
    %dma_wait3A_223 = tpu.memref_slice %arg3[%add3A_109, %dma_wait3A_222] : memref<64x8192xf32, #tpu.memory_space<hbm>> -> memref<1x8192xf32, #tpu.memory_space<hbm>>
    %dma_wait3A_224 = tpu.memref_squeeze %dma_wait3A_223 : memref<1x8192xf32, #tpu.memory_space<hbm>> -> memref<8192xf32, #tpu.memory_space<hbm>>
    %dma_wait3A_225 = arith.constant 0 : i32
    %dma_wait3A_226 = tpu.memref_slice %arg3[%add3A_109, %dma_wait3A_225] : memref<64x8192xf32, #tpu.memory_space<hbm>> -> memref<1x8192xf32, #tpu.memory_space<hbm>>
    %dma_wait3A_227 = tpu.memref_squeeze %dma_wait3A_226 : memref<1x8192xf32, #tpu.memory_space<hbm>> -> memref<8192xf32, #tpu.memory_space<hbm>>
    tpu.wait_dma2 semaphore(%arg10 : memref<!tpu.dma_semaphore, #tpu.memory_space<semaphore_mem>>) src(%arg4 : memref<8192xf32, #tpu.memory_space<vmem>>) dst(%dma_wait3A_227 : memref<8192xf32, #tpu.memory_space<hbm>>)
    %dma_wait3A_228 = arith.constant 0 : i32
    %dma_wait3A_229 = tpu.memref_slice %arg3[%add3A_215, %dma_wait3A_228] : memref<64x8192xf32, #tpu.memory_space<hbm>> -> memref<1x8192xf32, #tpu.memory_space<hbm>>
    %dma_wait3A_230 = tpu.memref_squeeze %dma_wait3A_229 : memref<1x8192xf32, #tpu.memory_space<hbm>> -> memref<8192xf32, #tpu.memory_space<hbm>>
    %dma_wait3A_231 = arith.constant 0 : i32
    %dma_wait3A_232 = tpu.memref_slice %arg3[%add3A_215, %dma_wait3A_231] : memref<64x8192xf32, #tpu.memory_space<hbm>> -> memref<1x8192xf32, #tpu.memory_space<hbm>>
    %dma_wait3A_233 = tpu.memref_squeeze %dma_wait3A_232 : memref<1x8192xf32, #tpu.memory_space<hbm>> -> memref<8192xf32, #tpu.memory_space<hbm>>
    tpu.wait_dma2 semaphore(%arg10 : memref<!tpu.dma_semaphore, #tpu.memory_space<semaphore_mem>>) src(%arg5 : memref<8192xf32, #tpu.memory_space<vmem>>) dst(%dma_wait3A_233 : memref<8192xf32, #tpu.memory_space<hbm>>)
    return
  }
}

</mosaic_0001>

<sc_bundles>
// kernel: kernel.3.cloned.1.call-start
scs
__scs_entry_jumppad:
0x0: {  	(pc) =	sbr.rel $0x88, $3  }
0x1: {  	(tag) =	ssettag $0x0;
	lr =	simm.s32 $0x1  }
0x2: {  	[smem:$0x3FA0] =	sst lr;
	_ =	strace $0xD0000000  }
0x3: {  	_ = 	snop  }
0x4: {  	_ = 	snop  }
0x5: {  	_ = 	snop  }
0x6: {  	_ = 	snop  }
0x7: {  	_ = 	snop  }
__scs_overlays_trampoline_lowered:
0x8: {  	[smem:$0x3FAF] =	sst s0  }
0x9: {  	[smem:$0x3FB0] =	sst s1  }
0xa: {  	[smem:$0x3FB1] =	sst s2  }
0xb: {  	[smem:$0x3FB2] =	sst s3  }
0xc: {  	[smem:$0x3FB3] =	sst s4  }
0xd: {  	[smem:$0x3FB4] =	sst s5  }
0xe: {  	[smem:$0x3FB5] =	sst s6  }
0xf: {  	[smem:$0x3FB6] =	sst s7  }
0x10: {  	[smem:$0x3FB7] =	sst s8  }
0x11: {  	[smem:$0x3FB8] =	sst s9;
	s0 =	simm.s32 @!p0 $0x0  }
0x12: {  	s1 =	sld [smem:$0x3F9E];
	s0 =	simm.s32 @p0 $0x1  }
0x13: {  	[smem:$0x3FB9] =	sst s0;
	s0 =	simm.s32 @!p1 $0x0  }
0x14: {  	s2 =	sld [smem:$0x3F9D];
	s0 =	simm.s32 @p1 $0x1  }
0x15: {  	[smem:$0x3FBA] =	sst s0;
	s0 =	simm.s32 @!p2 $0x0  }
0x16: {  	s3 =	sld [smem:$0x3FDB];
	s0 =	simm.s32 @p2 $0x1  }
0x17: {  	s4 =	simm.s32 $0x1BF5;
	[smem:$0x3FBC] =	sst s0  }
0x18: {  	s0 =	sld [smem:$0x3F9F];
	_ =	swait.ge [sflag:s4], $0x0  }
0x19: {  	s7 =	sld [smem:$0x3FA0]  }
0x1a: {  	s8 =	sadd.s32 $0xFFFFE003, lr  }
0x1b: {  	s9 =	sadd.s32 $0xFFFFFEF7, lr;
	s5 =	simm.s32 $0xFFFFFFFF;
	p2 =	slt.u32 s8, $0xFFFFF086  }
0x1c: {  	p1 =	slt.u32 s9, $0xF7A;
	s5 =	simm.s32 @!p2 $0x0  }
0x1d: {  	s5 =	simm.s32 @p1 $0x1;
	p0 =	seq.s32 s7, s2  }
0x1e: {  	s7 =	smul.u32 @!p0 $0xF7A, s2;
	p2 =	seq.s32 @!p0 s5, $0x0  }
0x1f: {  	s9 =	smul.u32 $0xF7A, s1;
	s8 =	simm.s32 @!p0 $0x1BF5;
	p2 =	por !p2, p0  }
0x20: {  	[sflag:s8] =	ssyncset.s32 @!p0 $0xFFFFF086;
	s6 =	sadd.s32 @!p0 s3, s7;
	s7 =	simm.s32 @!p0 $0x108  }
0x21: {  	s3 =	sadd.s32 s3, s9;
	s6 =	sadd.s32 @!p0 $0x88, s6;
	s7 =	simm.s32 @p2 $0x1082  }
0x22: {  	[simem:s7], [sflag:s8] =	dma.local @!p0 [hbm:s6], $0xF7A  }
0x23: {  	s9 =	sor.u32 $0xD0000000, s2;
	s6 =	simm.s32 $0x108;
	_ =	swait.ge @!p0 [sflag:s8], $0x0  }
0x24: {  	s3 =	sadd.s32 $0x88, s3;
	s6 =	simm.s32 @!p1 $0x1082;
	[sflag:s4] =	ssyncset.s32 $0xFFFFF086  }
0x25: {  	[simem:s6], [sflag:s4] =	dma.local [hbm:s3], $0xF7A  }
0x26: {  	[smem:$0x3FA0] =	sst s1;
	(tag) =	ssettag s2;
	_ =	strace s9  }
0x27: {  	s1 =	sld [smem:$0x3FB0]  }
0x28: {  	s2 =	sld [smem:$0x3FB1]  }
0x29: {  	s4 =	sld [smem:$0x3FB3]  }
0x2a: {  	p0 =	seq.s32 s5, $0x0;
	s5 =	sld [smem:$0x3FB4]  }
0x2b: {  	s6 =	sld [smem:$0x3FB5]  }
0x2c: {  	s7 =	sld [smem:$0x3FB6]  }
0x2d: {  	s3 =	simm.s32 $0x108;
	s8 =	sld [smem:$0x3FB7]  }
0x2e: {  	s3 =	simm.s32 @!p0 $0x1082;
	s9 =	sld [smem:$0x3FB8]  }
0x2f: {  	lr =	sadd.s32 s0, s3;
	s0 =	sld [smem:$0x3FAF]  }
0x30: {  	s3 =	sld [smem:$0x3FB2]  }
0x31: {  	[smem:$0x3FBB] =	sst s10  }
0x32: {  	s10 =	sld [smem:$0x3FB9];
	_ =	sdelay $0x3  }
0x33: {  	p0 =	seq.s32 s10, $0x1;
	s10 =	sld [smem:$0x3FBB];
	_ =	sdelay $0x3  }
0x34: {  	[smem:$0x3FBB] =	sst s10  }
0x35: {  	s10 =	sld [smem:$0x3FBA];
	_ =	sdelay $0x3  }
0x36: {  	p1 =	seq.s32 s10, $0x1;
	s10 =	sld [smem:$0x3FBB];
	_ =	sdelay $0x3  }
0x37: {  	[smem:$0x3FBB] =	sst s10  }
0x38: {  	s10 =	sld [smem:$0x3FBC]  }
0x39: {  	_ = 	snop;
	(pc) =	sbr.ind lr, $3  }
0x3a: {  	_ = 	snop  }
0x3b: {  	_ = 	snop  }
0x3c: {  	p2 =	seq.s32 s10, $0x1;
	s10 =	sld [smem:$0x3FBB]  }
0x3d: {  	_ =	shalt  }
0x3e: {  	_ =	shalt  }
0x3f: {  	_ =	shalt  }
0x40: {  	_ =	shalt  }
0x41: {  	_ =	shalt  }
0x42: {  	_ =	shalt  }
0x43: {  	_ =	shalt  }
0x44: {  	_ =	shalt  }
0x45: {  	_ =	shalt  }
0x46: {  	_ =	shalt  }
0x47: {  	_ =	shalt  }
0x48: {  	_ =	shalt  }
0x49: {  	_ =	shalt  }
0x4a: {  	_ =	shalt  }
0x4b: {  	_ =	shalt  }
0x4c: {  	_ =	shalt  }
0x4d: {  	_ =	shalt  }
0x4e: {  	_ =	shalt  }
0x4f: {  	_ =	shalt  }
0x50: {  	_ =	shalt  }
0x51: {  	_ =	shalt  }
0x52: {  	_ =	shalt  }
0x53: {  	_ =	shalt  }
0x54: {  	_ =	shalt  }
0x55: {  	_ =	shalt  }
0x56: {  	_ =	shalt  }
0x57: {  	_ =	shalt  }
0x58: {  	_ =	shalt  }
0x59: {  	_ =	shalt  }
0x5a: {  	_ =	shalt  }
0x5b: {  	_ =	shalt  }
0x5c: {  	_ =	shalt  }
0x5d: {  	_ =	shalt  }
0x5e: {  	_ =	shalt  }
0x5f: {  	_ =	shalt  }
0x60: {  	_ =	shalt  }
0x61: {  	_ =	shalt  }
0x62: {  	_ =	shalt  }
0x63: {  	_ =	shalt  }
0x64: {  	_ =	shalt  }
0x65: {  	_ =	shalt  }
0x66: {  	_ =	shalt  }
0x67: {  	_ =	shalt  }
0x68: {  	_ =	shalt  }
0x69: {  	_ =	shalt  }
0x6a: {  	_ =	shalt  }
0x6b: {  	_ =	shalt  }
0x6c: {  	_ =	shalt  }
0x6d: {  	_ =	shalt  }
0x6e: {  	_ =	shalt  }
0x6f: {  	_ =	shalt  }
0x70: {  	_ =	shalt  }
0x71: {  	_ =	shalt  }
0x72: {  	_ =	shalt  }
0x73: {  	_ =	shalt  }
0x74: {  	_ =	shalt  }
0x75: {  	_ =	shalt  }
0x76: {  	_ =	shalt  }
0x77: {  	_ =	shalt  }
0x78: {  	_ =	shalt  }
0x79: {  	_ =	shalt  }
0x7a: {  	_ =	shalt  }
0x7b: {  	_ =	shalt  }
0x7c: {  	_ =	shalt  }
0x7d: {  	_ =	shalt  }
0x7e: {  	_ =	shalt  }
0x7f: {  	_ =	shalt  }
0x80: {  	_ =	shalt  }
0x81: {  	_ =	shalt  }
0x82: {  	_ =	shalt  }
0x83: {  	_ =	shalt  }
0x84: {  	_ =	shalt  }
0x85: {  	_ =	shalt  }
0x86: {  	_ =	shalt  }
0x87: {  	_ =	shalt  }
.Lfunc_end0:
.L_simem_size_0:
called_computation_lowered:
.L_overlay_start_0:
0x88: {  	s2 =	sld [smem:$0x3FD9]  }
0x89: {  	s3 =	sld [smem:$0x3FFE];
	_ =	sdelay $0x1  }
0x8a: {  	s1 =	srdreg.scid  }
0x8b: {  	s0 =	sand.u32 $0x1, s1  }
0x8c: {  	s18 =	sshll.u32 s0, $0xA;
	s2 =	sadd.s32 s3, s2  }
0x8d: {  	s2 =	sadd.s32 s2, s18  }
0x8e: {  	[smem:$0x3FC7] =	sst s2  }
0x8f: {  	_ = 	snop  }
0x90: {  	s2 =	sld [smem:$0x3FC9]  }
0x91: {  	s19 =	sld [smem:$0x3FD0];
	(tm) =	ssettm $0x1  }
0x92: {  	s4 =	sld [smem:$0x3FFB];
	_ =	sdelay $0x3  }
0x93: {  	_ =	strace s4  }
0x94: {  	s4 =	sld [smem:$0x3FFC];
	_ =	sdelay $0x3  }
0x95: {  	_ =	strace s4  }
0x96: {  	s4 =	sld [smem:$0x3FFD];
	_ =	sdelay $0x3  }
0x97: {  	_ =	strace s4  }
0x98: {  	_ =	strace $0x8FFFFFFF  }
0x99: {  	s20 =	sld [smem:$0x3FDB];
	_ =	sdelay $0x1  }
0x9a: {  	s5 =	simm.s32 $_scs_section_size  }
0x9b: {  	s6 =	simm.s32 $_size__tile_overlayer_lowered;
	s7 =	simm.s32 $_tile_overlayer_lowered  }
0x9c: {  	s23 =	simm.s32 $0x1BFF;
	s22 =	sshll.u32 s7, $0x1;
	s4 =	sadd.s32 s5, s20  }
0x9d: {  	s8 =	simm.s32 $0x0;
	s21 =	sshll.u32 s6, $0x1;
	s6 =	sadd.s32 s22, s4  }
0x9e: {  	[timem:s8], [sflag:s23] =	dma.local [hbm:s6], s21  }
0x9f: {  	_ =	swait.ge [sflag:s23], s21  }
0xa0: {  	s5 =	ssub.s32 $0x0, s21;
	[sflag:s23] =	ssyncset.done $0x0  }
0xa1: {  	[sflag:s23] =	ssyncadd.s32 s5;
	_ =	sdelay $0x1  }
0xa2: {  	s24 =	simm.s32 $0x1B8B  }
0xa3: {  	_ =	swait.ge [sflag:s24], $0x1  }
0xa4: {  	[sflag:s24] =	ssyncset.done $0x0  }
0xa5: {  	s25 =	simm.s32 $0x1B8E;
	[sflag:s24] =	ssyncadd.s32 $0xFFFFFFFF  }
0xa6: {  	s26 =	simm.s32 $execute0_lowered;
	[smem:$0x3FD2] =	sst s25  }
0xa7: {  	s5 =	sshll.u32 s26, $0x1;
	_ =	strace $0x80000046;
	[dreg:$0x1] =	wrdreg $0xFFFFFFFF  }
0xa8: {  	s28 =	simm.s32 $_size_execute0_lowered;
	s4 =	sadd.s32 s4, s5;
	[dreg:$0x0] =	wrdreg $0x0  }
0xa9: {  	s5 =	sshll.u32 s28, $0x1;
	[dreg:$0x2] =	wrdreg s4  }
0xaa: {  	[dreg:$0x3] =	wrdreg s5  }
0xab: {  	[dreg:$0x4] =	wrdreg $0xC0  }
0xac: {  	_ =	task [dreg:s8], $0x5FFFF  }
0xad: {  	[dreg:$0x1] =	wrdreg $0xFFFFFFFF  }
0xae: {  	[dreg:$0x0] =	wrdreg $0x60  }
0xaf: {  	[dreg:$0x2] =	wrdreg s2  }
0xb0: {  	[dreg:$0x3] =	wrdreg s19  }
0xb1: {  	[dreg:$0x4] =	wrdreg $0x9  }
0xb2: {  	_ =	task.clear_ibuf [dreg:s8], $0x5FFFF;
	_ =	strace $0x90000046  }
0xb3: {  	s29 =	simm.s32 $0x9;
	_ =	strace $0x80000054  }
0xb4: {  	_ =	swait.ge [sflag:s29], $0x1  }
0xb5: {  	[sflag:s29] =	ssyncadd.s32 $0xFFFFFFFF  }
0xb6: {  	_ =	strace $0x90000054  }
0xb7: {  	_ =	sfence  }
0xb8: {  	s30 =	sld [smem:$0x0];
	_ =	sdelay $0x2  }
0xb9: {  	s31 =	sshll.u32 s1, $0xD;
	s1 =	sshrl.u32 s1, $0x2  }
0xba: {  	s3 =	sand.u32 $0x4000, s31;
	s1 =	sadd.s32 s1, s30  }
0xbb: {  	s0 =	sor.u32 s3, s0;
	s1 =	sshll.u32 s1, $0x11  }
0xbc: {  	s0 =	sor.u32 s1, s0  }
0xbd: {  	s0 =	sadd.s32 $0x8F2B, s0  }
0xbe: {  	[sflag:s0] =	ssyncadd.remote.s32 $0x1  }
0xbf: {  	_ =	sfence.sel $0xFFFF  }
0xc0: {  	[dreg:$0x0] =	wrdreg $0xFFFFFFFF;
	(pc) =	sbr.abs _section_cstart, $3  }
0xc1: {  	[dreg:$0x1] =	wrdreg $0xFFFFFFFF  }
0xc2: {  	_ =	task.clear_ibuf [dreg:s8], $0x2FFFF;
	_ =	strace $0x9FFFFFFF  }
0xc3: {  	(tm) =	ssettm $0x7FFFFFFF  }
tec
execute0_lowered:
.L_overlay_start_1:
0x0: {  	(tag) =	ssettag $0x1  }
0x1: {  	s4 =	rddreg [dreg:$0x0]  }
0x2: {  	s6 =	rddreg [dreg:$0x1]  }
0x3: {  	v0 =	vimm.s32 $0xFEDCBA98;
	v1 =	vimm.s32 $0x76543210;
	s0 =	rddreg [dreg:$0x2];
	v2 =	vimm.s32 $0x3210FEDC  }
0x4: {  	s3 =	srdreg.scid;
	s1 =	stileid.u32;
	v3 =	vimm.s32 $0xBA987654;
	v4 =	vimm.s32 $0x10FEDCBA;
	v5 =	vimm.s32 $0x98765432  }
0x5: {  	s2 =	simm.s32 $0x0;
	v6 =	vimm.s32 $0xFEDCBA9;
	v7 =	vimm.s32 $0x87654321;
	s9 =	simm.s32 $0x2000;
	s10 =	simm.s32 $0x1  }
0x6: {  	s11 =	simm.s32 $0x80;
	s12 =	simm.s32 $0x2;
	s13 =	simm.s32 $0x3;
	v0 =	vunpack.c.l.s4.s8 v0;
	v1 =	vunpack.c.l.s4.s8 v1;
	v2 =	vunpack.c.l.s4.s8 v2  }
0x7: {  	s14 =	simm.s32 $0x0;
	s3 =	sand.u32 $0x1, s3;
	s5 =	sshll.u32 s1, $0x6;
	v3 =	vunpack.c.l.s4.s8 v3;
	v4 =	vunpack.c.l.s4.s8 v4;
	v5 =	vunpack.c.l.s4.s8 v5  }
0x8: {  	s8 =	sshll.u32 s1, $0xC;
	v6 =	vunpack.c.l.s4.s8 v6;
	v7 =	vunpack.c.l.s4.s8 v7;
	s7 =	sshll.u32 s3, $0x5;
	s5 =	sand.u32 $0x40, s5;
	v0 =	vunpack.c.0.s8.s32 v0  }
0x9: {  	s3 =	ssub.s32 $0x2, s3;
	s8 =	sand.u32 $0xE000, s8;
	v1 =	vunpack.c.0.s8.s32 v1;
	s5 =	sor.u32 s7, s5;
	v2 =	vunpack.c.0.s8.s32 v2;
	v3 =	vunpack.c.0.s8.s32 v3  }
0xa: {  	[smem:$0x7FF] =	sst s2;
	s31 =	sshrl.u32 s3, $0x1;
	v4 =	vunpack.c.0.s8.s32 v4;
	v5 =	vunpack.c.0.s8.s32 v5;
	s5 =	sor.u32 s8, s5;
	v0 =	vand.u32 $0xF, v0  }
0xb: {  	_ =	strace $0x80000047;
	v6 =	vunpack.c.0.s8.s32 v6;
	v7 =	vunpack.c.0.s8.s32 v7;
	s7 =	ssub.s32 s3, s31;
	s8 =	sor.u32 $0x10, s5;
	v0 =	vcombine.low v0, v1  }
0xc: {  	s3 =	sadd.s32 s4, s5;
	s5 =	sadd.s32 s6, s5;
	s7 =	smax.u32 s7, $0x1;
	v1 =	vcombine.low v3, v2;
	v2 =	vcombine.low v5, v4  }
0xd: {  	s4 =	sadd.s32 s4, s8;
	s6 =	sadd.s32 s6, s8;
	s8 =	simm.s32 $0x400;
	v3 =	vimm.s32 $0x1;
	v4 =	vcombine.low v7, v6;
	v5 =	vimm.s32 $0x0  }
.LBB2_1:
0xe: {  	[tilespmem:s2], [sflag:$0x1] =	stream.strided.gather [hbm4b:s3+s11], $0x2000, s8, s11, $0x38;
	[tilespmem:$0x6000] =	vst v63  }
0xf: {  	_ = 	snop  }
0x10: {  	[tilespmem:s9], [sflag:$0x2] =	stream.strided.gather [hbm4b:s4+s11], $0x2000, s8, s11, $0x38;
	[tilespmem:$0x6000] =	vst v63  }
0x11: {  	_ =	swait.ge [sflag:s10], $0x2000  }
0x12: {  	[sflag:s10] =	ssyncset.done $0x0  }
0x13: {  	[sflag:s10] =	ssyncadd.s32 $0xFFFFE000  }
0x14: {  	_ =	strace $0x80000048  }
0x15: {  	v6 =	vld [tilespmem:s11+$0xFFFFFF80]  }
0x16: {  	v7 =	vld [tilespmem:s11+$0x60]  }
0x17: {  	v8 =	vld [tilespmem:s11+$0x70]  }
0x18: {  	v9 =	vld [tilespmem:s11+$0x50]  }
0x19: {  	v10 =	vld [tilespmem:s11+$0x40]  }
0x1a: {  	v11 =	vld [tilespmem:s11+$0xFFFFFF90]  }
0x1b: {  	v13 =	vld [tilespmem:s11+$0xFFFFFFD0]  }
0x1c: {  	v14 =	vld [tilespmem:s11+$0xFFFFFFE0]  }
0x1d: {  	v19 =	vld [tilespmem:s11+$0x30]  }
0x1e: {  	v24 =	vld [tilespmem:s11+$0xFFFFFFA0]  }
0x1f: {  	v22 =	vld [tilespmem:s11+$0x10]  }
0x20: {  	v6 =	vand.u32 $0x7FFFFFFF, v6  }
0x21: {  	v7 =	vand.u32 $0x7FFFFFFF, v7;
	v8 =	vand.u32 $0x7FFFFFFF, v8;
	v18 =	vand.u32 $0x7FFFFFFF, v9  }
0x22: {  	v9 =	vand.u32 $0x7FFFFFFF, v11;
	v13 =	vand.u32 $0x7FFFFFFF, v13;
	v14 =	vand.u32 $0x7FFFFFFF, v14  }
0x23: {  	v19 =	vand.u32 $0x7FFFFFFF, v19;
	v27 =	vand.u32 $0x7FFFFFFF, v10;
	v24 =	vand.u32 $0x7FFFFFFF, v24  }
0x24: {  	v22 =	vand.u32 $0x7FFFFFFF, v22;
	v12 =	vshrl.u32 v6, $0x10;
	v6 =	vshrl.u32 v6, $0x1  }
0x25: {  	v17 =	vld [tilespmem:s11+$0xFFFFFFF0];
	v15 =	vshrl.u32 v7, $0x10;
	v16 =	vshrl.u32 v7, $0x1;
	v7 =	vand.u32 $0x7FFF0000, v8  }
0x26: {  	v20 =	vshll.u32 v18, $0xF;
	v18 =	vand.u32 $0x7FFF0000, v18;
	v11 =	vand.u32 $0x7FFF0000, v9  }
0x27: {  	v28 =	vshrl.u32 v27, $0x10;
	v63 =	vand.u32 $0x7FFF0000, v22;
	v6 =	vand.u32 $0x7FFF, v6  }
0x28: {  	v15 =	vor.u32 v15, v7;
	v7 =	vshll.u32 v8, $0xF;
	v8 =	vand.u32 $0x7FFF, v16  }
0x29: {  	v20 =	vand.u32 $0x7FFF0000, v20;
	v23 =	vor.u32 v12, v11;
	v12 =	vand.u32 $0x7FFF0000, v13  }
0x2a: {  	v11 =	vshll.u32 v13, $0xF;
	v13 =	vand.u32 $0x7FFFFFFF, v17;
	v17 =	vshrl.u32 v14, $0x10  }
0x2b: {  	v21 =	vld [tilespmem:s11+$0x20];
	v14 =	vshrl.u32 v14, $0x1;
	v26 =	vand.u32 $0x7FFF0000, v13;
	v10 =	vand.u32 $0x7FFF0000, v11  }
0x2c: {  	v16 =	vld [tilespmem:s11+$0x0];
	v29 =	vshll.u32 v13, $0xF;
	v11 =	vand.u32 $0x7FFF0000, v19;
	v13 =	vshll.u32 v19, $0xF  }
0x2d: {  	s16 =	simm.s32 $0x4040;
	v25 =	vld [tilespmem:s11+$0xFFFFFFB0];
	v19 =	vshrl.u32 v24, $0x10;
	v26 =	vor.u32 v17, v26;
	v17 =	vshrl.u32 v27, $0x1  }
0x2e: {  	[tilespmem:s16+$0x30] =	vst v15;
	v15 =	vshrl.u32 v24, $0x1;
	v14 =	vand.u32 $0x7FFF, v14;
	v17 =	vand.u32 $0x7FFF, v17  }
0x2f: {  	[tilespmem:s16+$0xFFFFFFC0] =	vst v23;
	v23 =	vshll.u32 v22, $0xF;
	v30 =	vor.u32 v17, v20;
	v20 =	vand.u32 $0x7FFF0000, v29  }
0x30: {  	v15 =	vand.u32 $0x7FFF, v15;
	v20 =	vor.u32 v14, v20;
	v14 =	vor.u32 v28, v18  }
0x31: {  	v23 =	vand.u32 $0x7FFF0000, v23;
	v27 =	vand.u32 $0x7FFFFFFF, v16;
	v16 =	vand.u32 $0x7FFFFFFF, v21;
	[tilespmem:s16+$0x20] =	vst v14;
	v14 =	vld [tilespmem:s11+$0xFFFFFFC0]  }
0x32: {  	v21 =	vand.u32 $0x7FFFFFFF, v25;
	v25 =	vshrl.u32 v27, $0x1;
	v17 =	vshrl.u32 v16, $0x1  }
0x33: {  	s15 =	simm.s32 $0x5040;
	s18 =	simm.s32 $0x0;
	[tilespmem:s16+$0xFFFFFFF0] =	vst v26;
	v27 =	vshrl.u32 v27, $0x10;
	v26 =	vshll.u32 v21, $0xF;
	v24 =	vand.u32 $0x7FFF0000, v21  }
0x34: {  	s19 =	simm.s32 $0x180;
	s20 =	simm.s32 $0x5040;
	s17 =	simm.s32 $0x4040;
	v22 =	vand.u32 $0x7FFF, v25;
	v18 =	vand.u32 $0x7FFF0000, v26;
	v21 =	vor.u32 v27, v63;
	[tilespmem:s15+$0x20] =	vst v30  }
.LBB2_2:
0x35: {  	v25 =	vld [tilespmem:s19+$0xFFFFFF80];
	s18 =	sadd.s32 $0x8, s18;
	v19 =	vor.u32 v19, v24;
	[tilespmem:s15+$0xFFFFFFF0] =	vst v20;
	v20 =	vor.u32 v22, v23;
	v16 =	vshrl.u32 v16, $0x10;
	s20 =	sadd.s32 $0x80, s20;
	s16 =	sadd.s32 $0x80, s16  }
0x36: {  	v14 =	vand.u32 $0x7FFFFFFF, v14;
	v17 =	vand.u32 $0x7FFF, v17;
	v13 =	vand.u32 $0x7FFF0000, v13;
	v22 =	vld [tilespmem:s19+$0x40];
	p0 =	slt.u32 s18, $0xF8  }
0x37: {  	v9 =	vshll.u32 v9, $0xF;
	v24 =	vshrl.u32 v14, $0x10;
	v13 =	vor.u32 v17, v13;
	v23 =	vld [tilespmem:s19+$0x60];
	[tilespmem:s17+$0x0] =	vst v21  }
0x38: {  	v9 =	vand.u32 $0x7FFF0000, v9;
	v14 =	vshrl.u32 v14, $0x1;
	v12 =	vor.u32 v24, v12;
	v17 =	vld [tilespmem:s19+$0x70];
	[tilespmem:s15+$0x0] =	vst v20  }
0x39: {  	v15 =	vor.u32 v15, v18;
	v6 =	vor.u32 v6, v9;
	v9 =	vand.u32 $0x7FFF, v14;
	v20 =	vld [tilespmem:s19+$0x50];
	[tilespmem:s17+$0xFFFFFFE0] =	vst v12  }
0x3a: {  	v7 =	vand.u32 $0x7FFF0000, v7;
	v9 =	vor.u32 v9, v10;
	v12 =	vand.u32 $0x7FFFFFFF, v25;
	v18 =	vld [tilespmem:s19+$0xFFFFFFF0];
	[tilespmem:s17+$0xFFFFFFD0] =	vst v19  }
0x3b: {  	v10 =	vld [tilespmem:s19+$0xFFFFFF90];
	v19 =	vshrl.u32 v12, $0x10;
	v12 =	vshrl.u32 v12, $0x1;
	[tilespmem:s15+$0xFFFFFFC0] =	vst v6;
	v6 =	vor.u32 v8, v7  }
0x3c: {  	v8 =	vor.u32 v16, v11;
	v21 =	vld [tilespmem:s19+$0xFFFFFFD0];
	v7 =	vand.u32 $0x7FFFFFFF, v23;
	[tilespmem:s15+$0x30] =	vst v6  }
0x3d: {  	v11 =	vld [tilespmem:s19+$0xFFFFFFE0];
	v16 =	vand.u32 $0x7FFFFFFF, v17;
	v17 =	vshrl.u32 v7, $0x10;
	v23 =	vshrl.u32 v7, $0x1;
	[tilespmem:s17+$0x10] =	vst v8;
	s17 =	smov.u32 s16  }
0x3e: {  	v6 =	vand.u32 $0x7FFF, v12;
	v14 =	vld [tilespmem:s19+$0xFFFFFFC0];
	v8 =	vand.u32 $0x7FFFFFFF, v20;
	v7 =	vand.u32 $0x7FFF0000, v16;
	[tilespmem:s15+$0xFFFFFFE0] =	vst v9  }
0x3f: {  	v20 =	vld [tilespmem:s19+$0x30];
	v12 =	vshll.u32 v8, $0xF;
	v17 =	vor.u32 v17, v7;
	v7 =	vshll.u32 v16, $0xF;
	[tilespmem:s15+$0x10] =	vst v13  }
0x40: {  	v24 =	vand.u32 $0x7FFF0000, v8;
	v8 =	vand.u32 $0x7FFF, v23;
	v9 =	vand.u32 $0x7FFFFFFF, v10;
	v16 =	vld [tilespmem:s19+$0x20];
	[tilespmem:s15+$0xFFFFFFD0] =	vst v15;
	s15 =	smov.u32 s20  }
0x41: {  	v10 =	vand.u32 $0x7FFF0000, v9;
	v13 =	vand.u32 $0x7FFFFFFF, v21;
	v15 =	vld [tilespmem:s19+$0x10];
	v21 =	vand.u32 $0x7FFF0000, v12;
	[tilespmem:s16+$0x30] =	vst v17  }
0x42: {  	v10 =	vor.u32 v19, v10;
	v12 =	vand.u32 $0x7FFF0000, v13;
	v17 =	vand.u32 $0x7FFFFFFF, v11;
	v19 =	vld [tilespmem:s19+$0x0]  }
0x43: {  	v11 =	vand.u32 $0x7FFFFFFF, v18;
	[tilespmem:s16+$0xFFFFFFC0] =	vst v10;
	v23 =	vld [tilespmem:s19+$0xFFFFFFA0];
	v10 =	vshll.u32 v13, $0xF;
	v13 =	vshrl.u32 v17, $0x10  }
0x44: {  	v22 =	vand.u32 $0x7FFFFFFF, v22;
	v25 =	vand.u32 $0x7FFF0000, v11;
	v18 =	vld [tilespmem:s19+$0xFFFFFFB0];
	v20 =	vand.u32 $0x7FFFFFFF, v20  }
0x45: {  	v10 =	vand.u32 $0x7FFF0000, v10;
	v13 =	vor.u32 v13, v25;
	v25 =	vshrl.u32 v22, $0x10  }
0x46: {  	v26 =	vshll.u32 v11, $0xF;
	v22 =	vshrl.u32 v22, $0x1;
	v11 =	vand.u32 $0x7FFF0000, v20;
	[tilespmem:s16+$0xFFFFFFF0] =	vst v13  }
0x47: {  	v27 =	vshrl.u32 v17, $0x1;
	v13 =	vshll.u32 v20, $0xF;
	v20 =	vand.u32 $0x7FFF, v22  }
0x48: {  	v16 =	vand.u32 $0x7FFFFFFF, v16;
	v22 =	vand.u32 $0x7FFFFFFF, v23;
	v23 =	vand.u32 $0x7FFFFFFF, v19  }
0x49: {  	v28 =	vand.u32 $0x7FFFFFFF, v15;
	v18 =	vand.u32 $0x7FFFFFFF, v18;
	v29 =	vshrl.u32 v23, $0x1  }
0x4a: {  	v17 =	vshrl.u32 v16, $0x1;
	v30 =	vor.u32 v20, v21;
	v19 =	vshrl.u32 v22, $0x10  }
.Ltmp0:
0x4b: {  	v20 =	vand.u32 $0x7FFF, v27;
	v15 =	vshrl.u32 v22, $0x1;
	v21 =	vshrl.u32 v23, $0x10;
	(pc) =	sbr.rel @p0 .LBB2_2-.Ltmp0, $4  }
0x4c: {  	v22 =	vand.u32 $0x7FFF0000, v26;
	v23 =	vshll.u32 v28, $0xF;
	v15 =	vand.u32 $0x7FFF, v15  }
0x4d: {  	v24 =	vor.u32 v25, v24;
	v26 =	vshll.u32 v18, $0xF;
	v20 =	vor.u32 v20, v22  }
0x4e: {  	v25 =	vand.u32 $0x7FFF0000, v28;
	v22 =	vand.u32 $0x7FFF, v29;
	v23 =	vand.u32 $0x7FFF0000, v23;
	[tilespmem:s16+$0x20] =	vst v24  }
0x4f: {  	s19 =	sadd.s32 $0x100, s19;
	v21 =	vor.u32 v21, v25;
	v24 =	vand.u32 $0x7FFF0000, v18;
	v18 =	vand.u32 $0x7FFF0000, v26;
	[tilespmem:s20+$0x20] =	vst v30  }
0x50: {  	[tilespmem:s15+$0xFFFFFFF0] =	vst v20  }
0x51: {  	v14 =	vand.u32 $0x7FFFFFFF, v14;
	v59 =	vor.u32 v22, v23;
	[tilespmem:s17+$0x0] =	vst v21  }
0x52: {  	v9 =	vshll.u32 v9, $0xF;
	v19 =	vor.u32 v19, v24;
	v60 =	vshrl.u32 v14, $0x10;
	[tilespmem:s15+$0x0] =	vst v59  }
0x53: {  	v9 =	vand.u32 $0x7FFF0000, v9;
	[tilespmem:s17+$0xFFFFFFD0] =	vst v19;
	v12 =	vor.u32 v60, v12  }
0x54: {  	v7 =	vand.u32 $0x7FFF0000, v7;
	v6 =	vor.u32 v6, v9;
	[tilespmem:s17+$0xFFFFFFE0] =	vst v12  }
0x55: {  	v61 =	vshrl.u32 v16, $0x10;
	v62 =	vshrl.u32 v14, $0x1;
	[tilespmem:s15+$0xFFFFFFC0] =	vst v6;
	v6 =	vor.u32 v8, v7  }
0x56: {  	v7 =	vand.u32 $0x7FFF, v62;
	v8 =	vor.u32 v61, v11;
	[tilespmem:s15+$0x30] =	vst v6  }
0x57: {  	v63 =	vand.u32 $0x7FFF0000, v13;
	v6 =	vand.u32 $0x7FFF, v17;
	v7 =	vor.u32 v7, v10;
	[tilespmem:s17+$0x10] =	vst v8  }
0x58: {  	v6 =	vor.u32 v6, v63;
	[tilespmem:s15+$0xFFFFFFE0] =	vst v7  }
0x59: {  	v7 =	vor.u32 v15, v18;
	[tilespmem:s15+$0x10] =	vst v6  }
0x5a: {  	[tilespmem:s15+$0xFFFFFFD0] =	vst v7  }
0x5b: {  	_ =	strace $0x90000048  }
0x5c: {  	s15 =	simm.s32 $0x0;
	v7 =	vimm.s32 $0x0;
	_ =	strace $0x80000049  }
.LBB2_4:
0x5d: {  	s17 =	simm.s32 $0x4040  }
0x5e: {  	v8 =	vld [tilespmem:s17+$0x30]  }
0x5f: {  	v9 =	vld [tilespmem:s17+$0x20]  }
0x60: {  	s16 =	ssub.s32 $0xE, s15;
	v11 =	vld [tilespmem:s17+$0x10]  }
0x61: {  	v6 =	vshll.u32 v3, s16;
	v13 =	vld [tilespmem:s17+$0xFFFFFFC0]  }
0x62: {  	v16 =	vld [tilespmem:s17+$0x0];
	v6 =	vbroadcast v6, $0x0  }
0x63: {  	v12 =	vld [tilespmem:s17+$0xFFFFFFF0]  }
0x64: {  	v14 =	vld [tilespmem:s17+$0xFFFFFFD0];
	v6 =	vor.u32 v7, v6  }
0x65: {  	v15 =	vld [tilespmem:s17+$0xFFFFFFE0];
	v10 =	vshll.u32 v6, $0x10  }
0x66: {  	v10 =	vor.u32 v6, v10  }
0x67: {  	v9 =	vsub.s16 v9, v10;
	v8 =	vsub.s16 v8, v10;
	v17 =	vsub.s16 v13, v10  }
0x68: {  	s16 =	simm.s32 $0x0;
	s17 =	simm.s32 $0x40C0;
	v13 =	vsub.s16 v16, v10;
	v11 =	vsub.s16 v11, v10;
	v16 =	vimm.s32 $0x0  }
.LBB2_5:
0x69: {  	v18 =	vld [tilespmem:s17+$0x30];
	v17 =	vshrl.u32 v17, $0xF;
	v14 =	vsub.s16 v14, v10;
	v12 =	vsub.s16 v12, v10  }
0x6a: {  	v19 =	vld [tilespmem:s17+$0x20];
	v17 =	vand.u32 $0x10001, v17;
	v14 =	vshrl.u32 v14, $0xF;
	v15 =	vsub.s16 v15, v10  }
0x6b: {  	v20 =	vld [tilespmem:s17+$0x10];
	v16 =	vadd.s32 v16, v17;
	v14 =	vand.u32 $0x10001, v14;
	v15 =	vshrl.u32 v15, $0xF  }
0x6c: {  	v21 =	vld [tilespmem:s17+$0x0];
	v14 =	vadd.s32 v14, v16;
	v15 =	vand.u32 $0x10001, v15;
	v16 =	vshrl.u32 v12, $0xF  }
0x6d: {  	v13 =	vshrl.u32 v13, $0xF;
	s16 =	sadd.s32 $0x8, s16;
	v12 =	vld [tilespmem:s17+$0xFFFFFFF0];
	v14 =	vadd.s32 v15, v14;
	v15 =	vand.u32 $0x10001, v16  }
0x6e: {  	v11 =	vshrl.u32 v11, $0xF;
	v13 =	vand.u32 $0x10001, v13;
	p0 =	slt.u32 s16, $0xF8;
	v17 =	vld [tilespmem:s17+$0xFFFFFFC0];
	v15 =	vadd.s32 v15, v14  }
.Ltmp1:
0x6f: {  	v9 =	vshrl.u32 v9, $0xF;
	v11 =	vand.u32 $0x10001, v11;
	v14 =	vld [tilespmem:s17+$0xFFFFFFD0];
	v13 =	vadd.s32 v13, v15;
	(pc) =	sbr.rel @p0 .LBB2_5-.Ltmp1, $4  }
0x70: {  	v8 =	vshrl.u32 v8, $0xF;
	v9 =	vand.u32 $0x10001, v9;
	v15 =	vld [tilespmem:s17+$0xFFFFFFE0];
	v11 =	vadd.s32 v11, v13  }
0x71: {  	v13 =	vand.u32 $0x10001, v8;
	v11 =	vadd.s32 v9, v11  }
0x72: {  	v8 =	vsub.s16 v18, v10;
	v9 =	vsub.s16 v19, v10;
	v16 =	vadd.s32 v13, v11  }
0x73: {  	s17 =	sadd.s32 $0x80, s17;
	v13 =	vsub.s16 v21, v10;
	v11 =	vsub.s16 v20, v10;
	v17 =	vsub.s16 v17, v10  }
0x74: {  	v17 =	vshrl.u32 v17, $0xF;
	v14 =	vsub.s16 v14, v10;
	v12 =	vsub.s16 v12, v10  }
0x75: {  	v17 =	vand.u32 $0x10001, v17;
	v14 =	vshrl.u32 v14, $0xF;
	v61 =	vsub.s16 v15, v10  }
0x76: {  	v62 =	vadd.s32 v16, v17;
	v14 =	vand.u32 $0x10001, v14;
	v10 =	vshrl.u32 v61, $0xF  }
0x77: {  	v12 =	vshrl.u32 v12, $0xF;
	v14 =	vadd.s32 v14, v62;
	v10 =	vand.u32 $0x10001, v10  }
0x78: {  	v13 =	vshrl.u32 v13, $0xF;
	v12 =	vand.u32 $0x10001, v12;
	v10 =	vadd.s32 v10, v14  }
0x79: {  	v11 =	vshrl.u32 v11, $0xF;
	v63 =	vand.u32 $0x10001, v13;
	v10 =	vadd.s32 v12, v10  }
0x7a: {  	v9 =	vshrl.u32 v9, $0xF;
	v11 =	vand.u32 $0x10001, v11;
	v10 =	vadd.s32 v63, v10  }
0x7b: {  	v8 =	vshrl.u32 v8, $0xF;
	v9 =	vand.u32 $0x10001, v9;
	v10 =	vadd.s32 v11, v10  }
0x7c: {  	v8 =	vand.u32 $0x10001, v8;
	v9 =	vadd.s32 v9, v10  }
0x7d: {  	v8 =	vadd.s32 v8, v9  }
0x7e: {  	v9 =	vand.u32 $0xFFFF, v8;
	v8 =	vshra.s32 v8, $0x10  }
0x7f: {  	v8 =	vadd.s32 v8, v9  }
0x80: {  	v9 =	vperm.xlane v8, v0;
	_ =	sdelay $0x1  }
0x81: {  	v8 =	vadd.s32 v8, v9  }
0x82: {  	v9 =	vperm.xlane v8, v1;
	_ =	sdelay $0x1  }
0x83: {  	v8 =	vadd.s32 v9, v8  }
0x84: {  	v9 =	vperm.xlane v8, v2;
	_ =	sdelay $0x1  }
0x85: {  	s15 =	sadd.s32 $0x1, s15;
	v8 =	vadd.s32 v9, v8  }
0x86: {  	p0 =	sne.s32 s15, $0xF;
	v9 =	vperm.xlane v8, v4  }
.Ltmp2:
0x87: {  	_ = 	snop;
	(pc) =	sbr.rel @p0 .LBB2_4-.Ltmp2, $4  }
0x88: {  	v8 =	vadd.s32 v8, v9  }
0x89: {  	v8 =	vadd.s32 $0xFFFFDFFF, v8  }
0x8a: {  	vm0 =	vlt.s32 v8, $0xFFFFFE00  }
0x8b: {  	v7 =	vsel vm0, v6, v7  }
0x8c: {  	_ =	strace $0x90000049  }
0x8d: {  	s16 =	simm.s32 $0x4040;
	_ =	strace $0x8000004A  }
0x8e: {  	v8 =	vld [tilespmem:s16+$0x30]  }
0x8f: {  	v9 =	vld [tilespmem:s16+$0xFFFFFFD0]  }
0x90: {  	v10 =	vld [tilespmem:s16+$0xFFFFFFE0]  }
0x91: {  	v11 =	vld [tilespmem:s16+$0xFFFFFFF0]  }
0x92: {  	v12 =	vld [tilespmem:s16+$0x0]  }
0x93: {  	v6 =	vshll.u32 v7, $0x10;
	v13 =	vld [tilespmem:s16+$0x10]  }
0x94: {  	v7 =	vor.u32 v7, v6  }
0x95: {  	v14 =	vsub.s16 v8, v7;
	v8 =	vsub.s16 v7, v8  }
0x96: {  	v15 =	vsub.s16 v9, v7;
	v9 =	vsub.s16 v7, v9;
	v19 =	vsub.s16 v10, v7  }
0x97: {  	v10 =	vsub.s16 v7, v10;
	v20 =	vsub.s16 v11, v7;
	v11 =	vsub.s16 v7, v11  }
0x98: {  	v21 =	vsub.s16 v12, v7;
	v12 =	vsub.s16 v7, v12;
	v23 =	vsub.s16 v13, v7  }
0x99: {  	v13 =	vsub.s16 v7, v13;
	v14 =	vshrl.u32 v14, $0xF;
	v8 =	vshrl.u32 v8, $0xF  }
0x9a: {  	s15 =	simm.s32 $0x5040;
	v15 =	vshrl.u32 v15, $0xF;
	v9 =	vshrl.u32 v9, $0xF;
	v10 =	vshrl.u32 v10, $0xF  }
0x9b: {  	v16 =	vld [tilespmem:s15+$0x30];
	v11 =	vshrl.u32 v11, $0xF;
	v12 =	vshrl.u32 v12, $0xF;
	v13 =	vshrl.u32 v13, $0xF  }
0x9c: {  	v17 =	vld [tilespmem:s16+$0x20];
	v14 =	vand.u32 $0x10001, v14;
	v8 =	vand.u32 $0x10001, v8;
	v15 =	vand.u32 $0x10001, v15  }
0x9d: {  	v18 =	vld [tilespmem:s16+$0xFFFFFFC0];
	v10 =	vand.u32 $0x10001, v10;
	v14 =	vmul.u32 $0xFFFF, v14;
	v8 =	vmul.u32 $0xFFFF, v8  }
0x9e: {  	v25 =	vand.u32 $0x10001, v11;
	v27 =	vand.u32 $0x10001, v12;
	v28 =	vand.u32 $0x10001, v13  }
0x9f: {  	v34 =	vmul.u32 $0xFFFF, v10;
	v35 =	vmul.u32 $0xFFFF, v25;
	v22 =	vor.u32 v8, v14  }
0xa0: {  	v36 =	vmul.u32 $0xFFFF, v27;
	v8 =	vand.u32 $0x7FFF7FFF, v8;
	v16 =	vandn.u32 v16, v22  }
0xa1: {  	v37 =	vmul.u32 $0xFFFF, v28;
	v22 =	vsub.s16 v17, v7;
	v8 =	vor.u32 v16, v8  }
0xa2: {  	v16 =	vsub.s16 v18, v7;
	v18 =	vsub.s16 v7, v18;
	v24 =	vor.u32 v14, v8  }
0xa3: {  	v8 =	vshrl.u32 v16, $0xF;
	v14 =	vshrl.u32 v18, $0xF;
	v16 =	vsub.s16 v7, v17  }
0xa4: {  	v17 =	vshrl.u32 v19, $0xF;
	v18 =	vshrl.u32 v20, $0xF;
	v19 =	vshrl.u32 v21, $0xF  }
0xa5: {  	v20 =	vshrl.u32 v23, $0xF;
	v21 =	vshrl.u32 v22, $0xF;
	v22 =	vand.u32 $0x10001, v9  }
0xa6: {  	v9 =	vmul.u32 $0xFFFF, v15;
	v16 =	vshrl.u32 v16, $0xF;
	v8 =	vand.u32 $0x10001, v8  }
0xa7: {  	v26 =	vld [tilespmem:s15+$0xFFFFFFD0];
	v14 =	vand.u32 $0x10001, v14;
	v17 =	vand.u32 $0x10001, v17;
	v18 =	vand.u32 $0x10001, v18  }
0xa8: {  	v29 =	vld [tilespmem:s15+$0xFFFFFFE0];
	v19 =	vand.u32 $0x10001, v19;
	v20 =	vand.u32 $0x10001, v20;
	v21 =	vand.u32 $0x10001, v21  }
0xa9: {  	v23 =	vld [tilespmem:s15+$0xFFFFFFC0];
	v32 =	vmul.u32 $0xFFFF, v22;
	[tilespmem:s15+$0x30] =	vst v24;
	v24 =	vand.u32 $0x7FFF7FFF, v36;
	v8 =	vmul.u32 $0xFFFF, v8  }
0xaa: {  	v30 =	vld [tilespmem:s15+$0xFFFFFFF0];
	v16 =	vand.u32 $0x10001, v16;
	v31 =	vmul.u32 $0xFFFF, v14;
	v11 =	vmul.u32 $0xFFFF, v17  }
0xab: {  	v33 =	vld [tilespmem:s15+$0x0];
	v12 =	vmul.u32 $0xFFFF, v18;
	v10 =	vmul.u32 $0xFFFF, v19;
	v13 =	vmul.u32 $0xFFFF, v20  }
0xac: {  	v25 =	vld [tilespmem:s15+$0x20];
	v14 =	vmul.u32 $0xFFFF, v21;
	v19 =	vor.u32 v32, v9;
	v15 =	vmul.u32 $0xFFFF, v16  }
0xad: {  	v17 =	vld [tilespmem:s15+$0x10];
	v18 =	vor.u32 v31, v8;
	v16 =	vor.u32 v34, v11;
	v27 =	vor.u32 v35, v12  }
0xae: {  	v28 =	vor.u32 v36, v10;
	v22 =	vandn.u32 v26, v19;
	v20 =	vandn.u32 v23, v18  }
0xaf: {  	v23 =	vor.u32 v37, v13;
	v26 =	vor.u32 v15, v14;
	v21 =	vandn.u32 v29, v16  }
0xb0: {  	v19 =	vandn.u32 v30, v27;
	v18 =	vandn.u32 v33, v28;
	v27 =	vand.u32 $0x7FFF7FFF, v31  }
0xb1: {  	v28 =	vand.u32 $0x7FFF7FFF, v32;
	v16 =	vandn.u32 v25, v26;
	v25 =	vand.u32 $0x7FFF7FFF, v34  }
0xb2: {  	s17 =	simm.s32 $0x0;
	s18 =	simm.s32 $0x40C0;
	s16 =	simm.s32 $0x5040;
	v26 =	vand.u32 $0x7FFF7FFF, v35;
	v17 =	vandn.u32 v17, v23;
	v23 =	vand.u32 $0x7FFF7FFF, v37  }
.LBB2_8:
0xb3: {  	v29 =	vld [tilespmem:s18+$0x30];
	s17 =	sadd.s32 $0x8, s17;
	v20 =	vor.u32 v20, v27;
	v22 =	vor.u32 v22, v28;
	v15 =	vand.u32 $0x7FFF7FFF, v15  }
0xb4: {  	v21 =	vor.u32 v21, v25;
	v19 =	vor.u32 v19, v26;
	v18 =	vor.u32 v18, v24;
	v27 =	vld [tilespmem:s18+$0xFFFFFFD0];
	p0 =	slt.u32 s17, $0xF8  }
0xb5: {  	v17 =	vor.u32 v17, v23;
	v8 =	vor.u32 v8, v20;
	v15 =	vor.u32 v16, v15;
	v24 =	vld [tilespmem:s18+$0xFFFFFFE0]  }
0xb6: {  	v16 =	vld [tilespmem:s18+$0xFFFFFFF0];
	[tilespmem:s15+$0xFFFFFFC0] =	vst v8;
	v8 =	vor.u32 v9, v22;
	v9 =	vor.u32 v11, v21;
	v11 =	vor.u32 v12, v19  }
0xb7: {  	v12 =	vld [tilespmem:s18+$0x0];
	[tilespmem:s15+$0xFFFFFFD0] =	vst v8;
	v8 =	vor.u32 v10, v18;
	v10 =	vor.u32 v13, v17;
	v13 =	vor.u32 v14, v15  }
0xb8: {  	s15 =	sadd.s32 $0x80, s15;
	v14 =	vld [tilespmem:s18+$0x10];
	v15 =	vsub.s16 v29, v7;
	v17 =	vsub.s16 v7, v29;
	[tilespmem:s16+$0xFFFFFFE0] =	vst v9  }
0xb9: {  	v9 =	vsub.s16 v27, v7;
	v18 =	vld [tilespmem:s15+$0x30];
	v15 =	vshrl.u32 v15, $0xF;
	v17 =	vshrl.u32 v17, $0xF;
	[tilespmem:s16+$0xFFFFFFF0] =	vst v11  }
0xba: {  	v11 =	vsub.s16 v7, v27;
	v19 =	vld [tilespmem:s18+$0x20];
	v15 =	vand.u32 $0x10001, v15;
	v17 =	vand.u32 $0x10001, v17;
	[tilespmem:s16+$0x0] =	vst v8  }
0xbb: {  	v20 =	vsub.s16 v24, v7;
	v8 =	vld [tilespmem:s18+$0xFFFFFFC0];
	v15 =	vmul.u32 $0xFFFF, v15;
	v17 =	vmul.u32 $0xFFFF, v17;
	[tilespmem:s16+$0x10] =	vst v10  }
0xbc: {  	v10 =	vsub.s16 v7, v24;
	v22 =	vsub.s16 v16, v7;
	v16 =	vsub.s16 v7, v16;
	v21 =	vld [tilespmem:s15+$0xFFFFFFC0];
	[tilespmem:s16+$0x20] =	vst v13;
	s16 =	smov.u32 s15  }
0xbd: {  	v13 =	vsub.s16 v12, v7;
	v12 =	vsub.s16 v7, v12;
	v23 =	vld [tilespmem:s15+$0xFFFFFFD0];
	v24 =	vor.u32 v17, v15  }
0xbe: {  	v26 =	vsub.s16 v14, v7;
	v17 =	vand.u32 $0x7FFF7FFF, v17;
	v25 =	vld [tilespmem:s15+$0xFFFFFFE0];
	v18 =	vandn.u32 v18, v24  }
0xbf: {  	v14 =	vsub.s16 v7, v14;
	v24 =	vld [tilespmem:s15+$0xFFFFFFF0];
	v27 =	vsub.s16 v19, v7;
	v17 =	vor.u32 v18, v17  }
0xc0: {  	v18 =	vsub.s16 v8, v7;
	v8 =	vsub.s16 v7, v8;
	v28 =	vld [tilespmem:s15+$0x0];
	v15 =	vor.u32 v15, v17  }
0xc1: {  	v17 =	vshrl.u32 v18, $0xF;
	v8 =	vshrl.u32 v8, $0xF;
	v29 =	vld [tilespmem:s15+$0x10];
	v18 =	vsub.s16 v7, v19;
	[tilespmem:s15+$0x30] =	vst v15  }
0xc2: {  	v9 =	vshrl.u32 v9, $0xF;
	v11 =	vshrl.u32 v11, $0xF;
	v15 =	vshrl.u32 v20, $0xF;
	v30 =	vld [tilespmem:s15+$0x20]  }
0xc3: {  	v10 =	vshrl.u32 v10, $0xF;
	v16 =	vshrl.u32 v16, $0xF;
	v19 =	vshrl.u32 v22, $0xF  }
0xc4: {  	v13 =	vshrl.u32 v13, $0xF;
	v12 =	vshrl.u32 v12, $0xF;
	v20 =	vshrl.u32 v26, $0xF  }
0xc5: {  	v14 =	vshrl.u32 v14, $0xF;
	v22 =	vshrl.u32 v27, $0xF;
	v18 =	vshrl.u32 v18, $0xF  }
0xc6: {  	v9 =	vand.u32 $0x10001, v9;
	v17 =	vand.u32 $0x10001, v17;
	v26 =	vand.u32 $0x10001, v8  }
0xc7: {  	v11 =	vand.u32 $0x10001, v11;
	v10 =	vand.u32 $0x10001, v10;
	v15 =	vand.u32 $0x10001, v15  }
0xc8: {  	v16 =	vand.u32 $0x10001, v16;
	v13 =	vand.u32 $0x10001, v13;
	v19 =	vand.u32 $0x10001, v19  }
0xc9: {  	v14 =	vand.u32 $0x10001, v14;
	v27 =	vand.u32 $0x10001, v12;
	v20 =	vand.u32 $0x10001, v20  }
0xca: {  	v8 =	vmul.u32 $0xFFFF, v17;
	v17 =	vand.u32 $0x10001, v22;
	v18 =	vand.u32 $0x10001, v18  }
0xcb: {  	v9 =	vmul.u32 $0xFFFF, v9;
	v31 =	vmul.u32 $0xFFFF, v11;
	v26 =	vmul.u32 $0xFFFF, v26  }
0xcc: {  	v32 =	vmul.u32 $0xFFFF, v10;
	v11 =	vmul.u32 $0xFFFF, v15;
	v12 =	vmul.u32 $0xFFFF, v19  }
0xcd: {  	v33 =	vmul.u32 $0xFFFF, v16;
	v10 =	vmul.u32 $0xFFFF, v13;
	v34 =	vmul.u32 $0xFFFF, v27  }
0xce: {  	v35 =	vmul.u32 $0xFFFF, v14;
	v13 =	vmul.u32 $0xFFFF, v20;
	v14 =	vmul.u32 $0xFFFF, v17  }
0xcf: {  	v17 =	vor.u32 v31, v9;
	v15 =	vmul.u32 $0xFFFF, v18;
	v16 =	vor.u32 v26, v8  }
0xd0: {  	v27 =	vor.u32 v34, v10;
	v18 =	vor.u32 v32, v11;
	v19 =	vor.u32 v33, v12  }
.Ltmp3:
0xd1: {  	v20 =	vandn.u32 v21, v16;
	v16 =	vor.u32 v35, v13;
	v36 =	vor.u32 v15, v14;
	(pc) =	sbr.rel @p0 .LBB2_8-.Ltmp3, $4  }
0xd2: {  	v22 =	vandn.u32 v23, v17;
	v21 =	vandn.u32 v25, v18;
	v19 =	vandn.u32 v24, v19  }
0xd3: {  	v18 =	vandn.u32 v28, v27;
	v17 =	vandn.u32 v29, v16;
	v16 =	vandn.u32 v30, v36  }
0xd4: {  	v27 =	vand.u32 $0x7FFF7FFF, v26;
	v28 =	vand.u32 $0x7FFF7FFF, v31;
	v25 =	vand.u32 $0x7FFF7FFF, v32  }
0xd5: {  	s18 =	sadd.s32 $0x80, s18;
	v23 =	vand.u32 $0x7FFF7FFF, v35;
	v26 =	vand.u32 $0x7FFF7FFF, v33;
	v24 =	vand.u32 $0x7FFF7FFF, v34  }
0xd6: {  	v7 =	vor.u32 v20, v27  }
0xd7: {  	v62 =	vor.u32 v17, v23;
	v7 =	vor.u32 v8, v7  }
0xd8: {  	v60 =	vor.u32 v22, v28;
	v63 =	vor.u32 v13, v62;
	[tilespmem:s15+$0xFFFFFFC0] =	vst v7  }
0xd9: {  	v8 =	vor.u32 v21, v25;
	v7 =	vor.u32 v9, v60;
	[tilespmem:s16+$0x10] =	vst v63  }
0xda: {  	v61 =	vor.u32 v19, v26;
	v8 =	vor.u32 v11, v8;
	[tilespmem:s15+$0xFFFFFFD0] =	vst v7  }
0xdb: {  	v9 =	vor.u32 v12, v61;
	v7 =	vor.u32 v18, v24;
	[tilespmem:s16+$0xFFFFFFE0] =	vst v8;
	v8 =	vand.u32 $0x7FFF7FFF, v15  }
0xdc: {  	[tilespmem:s16+$0xFFFFFFF0] =	vst v9;
	v7 =	vor.u32 v10, v7;
	v8 =	vor.u32 v16, v8  }
0xdd: {  	[tilespmem:s16+$0x0] =	vst v7;
	v7 =	vor.u32 v14, v8  }
0xde: {  	[tilespmem:s16+$0x20] =	vst v7  }
0xdf: {  	_ =	strace $0x9000004A  }
0xe0: {  	s15 =	simm.s32 $0x0;
	v7 =	vimm.s32 $0x0;
	_ =	strace $0x8000004B  }
.LBB2_10:
0xe1: {  	s17 =	simm.s32 $0x5040  }
0xe2: {  	v9 =	vld [tilespmem:s17+$0x30]  }
0xe3: {  	v10 =	vld [tilespmem:s17+$0x20]  }
0xe4: {  	s16 =	ssub.s32 $0xE, s15;
	v12 =	vld [tilespmem:s17+$0x10]  }
0xe5: {  	v8 =	vshll.u32 v3, s16;
	v14 =	vld [tilespmem:s17+$0xFFFFFFC0]  }
0xe6: {  	v17 =	vld [tilespmem:s17+$0x0];
	v8 =	vbroadcast v8, $0x0  }
0xe7: {  	v13 =	vld [tilespmem:s17+$0xFFFFFFF0]  }
0xe8: {  	v15 =	vld [tilespmem:s17+$0xFFFFFFD0];
	v8 =	vor.u32 v7, v8  }
0xe9: {  	v16 =	vld [tilespmem:s17+$0xFFFFFFE0];
	v11 =	vshll.u32 v8, $0x10  }
0xea: {  	v11 =	vor.u32 v8, v11  }
0xeb: {  	v10 =	vsub.s16 v10, v11;
	v9 =	vsub.s16 v9, v11;
	v18 =	vsub.s16 v14, v11  }
0xec: {  	s16 =	simm.s32 $0x0;
	s17 =	simm.s32 $0x50C0;
	v14 =	vsub.s16 v17, v11;
	v12 =	vsub.s16 v12, v11;
	v17 =	vimm.s32 $0x0  }
.LBB2_11:
0xed: {  	v19 =	vld [tilespmem:s17+$0x30];
	v18 =	vshrl.u32 v18, $0xF;
	v15 =	vsub.s16 v15, v11;
	v13 =	vsub.s16 v13, v11  }
0xee: {  	v20 =	vld [tilespmem:s17+$0x20];
	v18 =	vand.u32 $0x10001, v18;
	v15 =	vshrl.u32 v15, $0xF;
	v16 =	vsub.s16 v16, v11  }
0xef: {  	v21 =	vld [tilespmem:s17+$0x10];
	v17 =	vadd.s32 v17, v18;
	v15 =	vand.u32 $0x10001, v15;
	v16 =	vshrl.u32 v16, $0xF  }
0xf0: {  	v22 =	vld [tilespmem:s17+$0x0];
	v15 =	vadd.s32 v15, v17;
	v16 =	vand.u32 $0x10001, v16;
	v17 =	vshrl.u32 v13, $0xF  }
0xf1: {  	v14 =	vshrl.u32 v14, $0xF;
	s16 =	sadd.s32 $0x8, s16;
	v13 =	vld [tilespmem:s17+$0xFFFFFFF0];
	v15 =	vadd.s32 v16, v15;
	v16 =	vand.u32 $0x10001, v17  }
0xf2: {  	v12 =	vshrl.u32 v12, $0xF;
	v14 =	vand.u32 $0x10001, v14;
	p0 =	slt.u32 s16, $0xF8;
	v18 =	vld [tilespmem:s17+$0xFFFFFFC0];
	v16 =	vadd.s32 v16, v15  }
.Ltmp4:
0xf3: {  	v10 =	vshrl.u32 v10, $0xF;
	v12 =	vand.u32 $0x10001, v12;
	v15 =	vld [tilespmem:s17+$0xFFFFFFD0];
	v14 =	vadd.s32 v14, v16;
	(pc) =	sbr.rel @p0 .LBB2_11-.Ltmp4, $4  }
0xf4: {  	v9 =	vshrl.u32 v9, $0xF;
	v10 =	vand.u32 $0x10001, v10;
	v16 =	vld [tilespmem:s17+$0xFFFFFFE0];
	v12 =	vadd.s32 v12, v14  }
0xf5: {  	v14 =	vand.u32 $0x10001, v9;
	v12 =	vadd.s32 v10, v12  }
0xf6: {  	v9 =	vsub.s16 v19, v11;
	v10 =	vsub.s16 v20, v11;
	v17 =	vadd.s32 v14, v12  }
0xf7: {  	s17 =	sadd.s32 $0x80, s17;
	v14 =	vsub.s16 v22, v11;
	v12 =	vsub.s16 v21, v11;
	v18 =	vsub.s16 v18, v11  }
0xf8: {  	v18 =	vshrl.u32 v18, $0xF;
	v15 =	vsub.s16 v15, v11;
	v13 =	vsub.s16 v13, v11  }
0xf9: {  	v18 =	vand.u32 $0x10001, v18;
	v15 =	vshrl.u32 v15, $0xF;
	v61 =	vsub.s16 v16, v11  }
0xfa: {  	v62 =	vadd.s32 v17, v18;
	v15 =	vand.u32 $0x10001, v15;
	v11 =	vshrl.u32 v61, $0xF  }
0xfb: {  	v13 =	vshrl.u32 v13, $0xF;
	v15 =	vadd.s32 v15, v62;
	v11 =	vand.u32 $0x10001, v11  }
0xfc: {  	v14 =	vshrl.u32 v14, $0xF;
	v13 =	vand.u32 $0x10001, v13;
	v11 =	vadd.s32 v11, v15  }
0xfd: {  	v12 =	vshrl.u32 v12, $0xF;
	v63 =	vand.u32 $0x10001, v14;
	v11 =	vadd.s32 v13, v11  }
0xfe: {  	v10 =	vshrl.u32 v10, $0xF;
	v12 =	vand.u32 $0x10001, v12;
	v11 =	vadd.s32 v63, v11  }
0xff: {  	v9 =	vshrl.u32 v9, $0xF;
	v10 =	vand.u32 $0x10001, v10;
	v11 =	vadd.s32 v12, v11  }
0x100: {  	v9 =	vand.u32 $0x10001, v9;
	v10 =	vadd.s32 v10, v11  }
0x101: {  	v9 =	vadd.s32 v9, v10  }
0x102: {  	v10 =	vand.u32 $0xFFFF, v9;
	v9 =	vshra.s32 v9, $0x10  }
0x103: {  	v9 =	vadd.s32 v9, v10  }
0x104: {  	v10 =	vperm.xlane v9, v0;
	_ =	sdelay $0x1  }
0x105: {  	v9 =	vadd.s32 v9, v10  }
0x106: {  	v10 =	vperm.xlane v9, v1;
	_ =	sdelay $0x1  }
0x107: {  	v9 =	vadd.s32 v10, v9  }
0x108: {  	v10 =	vperm.xlane v9, v2;
	_ =	sdelay $0x1  }
0x109: {  	s15 =	sadd.s32 $0x1, s15;
	v9 =	vadd.s32 v10, v9  }
0x10a: {  	p0 =	sne.s32 s15, $0xF;
	v10 =	vperm.xlane v9, v4  }
.Ltmp5:
0x10b: {  	_ = 	snop;
	(pc) =	sbr.rel @p0 .LBB2_10-.Ltmp5, $4  }
0x10c: {  	v9 =	vadd.s32 v9, v10  }
0x10d: {  	v9 =	vadd.s32 $0xFFFFDFFF, v9  }
0x10e: {  	vm0 =	vlt.s32 v9, $0xFFFFFE00  }
0x10f: {  	v7 =	vsel vm0, v8, v7  }
0x110: {  	_ =	strace $0x9000004B  }
0x111: {  	s16 =	simm.s32 $0x40;
	_ =	strace $0x8000004C  }
0x112: {  	v9 =	vld [tilespmem:s16+$0x30]  }
0x113: {  	v8 =	vld [tilespmem:s16+$0x20]  }
0x114: {  	v16 =	vld [tilespmem:s16+$0x10]  }
0x115: {  	v11 =	vld [tilespmem:s16+$0x0]  }
0x116: {  	v15 =	vld [tilespmem:s16+$0xFFFFFFC0]  }
0x117: {  	v10 =	vld [tilespmem:s16+$0xFFFFFFF0]  }
0x118: {  	v12 =	vld [tilespmem:s16+$0xFFFFFFD0]  }
0x119: {  	v13 =	vld [tilespmem:s16+$0xFFFFFFE0]  }
0x11a: {  	v7 =	vshll.u32 v7, $0x1;
	v14 =	vimm.s32 $0x0  }
0x11b: {  	v6 =	vor.u32 v6, v7;
	v8 =	vand.u32 $0x7FFFFFFF, v8;
	v7 =	vand.u32 $0x7FFFFFFF, v9  }
0x11c: {  	s15 =	simm.s32 $0x0;
	s16 =	simm.s32 $0xC0;
	v15 =	vand.u32 $0x7FFFFFFF, v15;
	v11 =	vand.u32 $0x7FFFFFFF, v11;
	v9 =	vand.u32 $0x7FFFFFFF, v16  }
.LBB2_14:
0x11d: {  	v16 =	vld [tilespmem:s16+$0x30];
	vm0 =	vlt.s32 v6, v15;
	v12 =	vand.u32 $0x7FFFFFFF, v12;
	v10 =	vand.u32 $0x7FFFFFFF, v10  }
0x11e: {  	v15 =	vld [tilespmem:s16+$0x20];
	v17 =	vsel vm0, $0x1, v5;
	vm0 =	vlt.s32 v6, v12;
	v12 =	vand.u32 $0x7FFFFFFF, v13  }
0x11f: {  	v18 =	vld [tilespmem:s16+$0x10];
	v13 =	vadd.s32 v17, v14;
	v14 =	vsel vm0, $0x1, v5;
	vm0 =	vlt.s32 v6, v12  }
0x120: {  	v17 =	vld [tilespmem:s16+$0x0];
	v12 =	vadd.s32 v14, v13;
	v13 =	vsel vm0, $0x1, v5;
	vm0 =	vlt.s32 v6, v10  }
0x121: {  	s15 =	sadd.s32 $0x8, s15;
	v10 =	vld [tilespmem:s16+$0xFFFFFFF0];
	v12 =	vadd.s32 v13, v12;
	v13 =	vsel vm0, $0x1, v5;
	vm0 =	vlt.s32 v6, v11  }
0x122: {  	p0 =	slt.u32 s15, $0x1F8;
	v11 =	vld [tilespmem:s16+$0xFFFFFFC0];
	v13 =	vadd.s32 v13, v12;
	v14 =	vsel vm0, $0x1, v5;
	vm0 =	vlt.s32 v6, v9  }
.Ltmp6:
0x123: {  	v12 =	vld [tilespmem:s16+$0xFFFFFFD0];
	v9 =	vadd.s32 v14, v13;
	v14 =	vsel vm0, $0x1, v5;
	vm0 =	vlt.s32 v6, v8;
	(pc) =	sbr.rel @p0 .LBB2_14-.Ltmp6, $4  }
0x124: {  	v13 =	vld [tilespmem:s16+$0xFFFFFFE0];
	v8 =	vadd.s32 v14, v9;
	v9 =	vsel vm0, $0x1, v5;
	vm0 =	vlt.s32 v6, v7  }
0x125: {  	v9 =	vadd.s32 v9, v8;
	v14 =	vsel vm0, $0x1, v5  }
0x126: {  	v7 =	vand.u32 $0x7FFFFFFF, v16;
	v8 =	vand.u32 $0x7FFFFFFF, v15;
	v14 =	vadd.s32 v14, v9  }
0x127: {  	s16 =	sadd.s32 $0x80, s16;
	v9 =	vand.u32 $0x7FFFFFFF, v18;
	v15 =	vand.u32 $0x7FFFFFFF, v11;
	v11 =	vand.u32 $0x7FFFFFFF, v17  }
0x128: {  	vm0 =	vlt.s32 v6, v15;
	v12 =	vand.u32 $0x7FFFFFFF, v12;
	v10 =	vand.u32 $0x7FFFFFFF, v10  }
0x129: {  	v15 =	vsel vm0, $0x1, v5;
	vm0 =	vlt.s32 v6, v12;
	v12 =	vand.u32 $0x7FFFFFFF, v13  }
0x12a: {  	v13 =	vadd.s32 v15, v14;
	v14 =	vsel vm0, $0x1, v5;
	vm0 =	vlt.s32 v6, v12  }
0x12b: {  	v12 =	vadd.s32 v14, v13;
	v13 =	vsel vm0, $0x1, v5;
	vm0 =	vlt.s32 v6, v10  }
0x12c: {  	v10 =	vadd.s32 v13, v12;
	v12 =	vsel vm0, $0x1, v5;
	vm0 =	vlt.s32 v6, v11  }
0x12d: {  	v10 =	vadd.s32 v12, v10;
	v11 =	vsel vm0, $0x1, v5;
	vm0 =	vlt.s32 v6, v9  }
0x12e: {  	v9 =	vadd.s32 v11, v10;
	v10 =	vsel vm0, $0x1, v5;
	vm0 =	vlt.s32 v6, v8  }
0x12f: {  	v8 =	vadd.s32 v10, v9;
	v9 =	vsel vm0, $0x1, v5;
	vm0 =	vlt.s32 v6, v7  }
0x130: {  	v7 =	vadd.s32 v9, v8;
	v8 =	vsel vm0, $0x1, v5  }
0x131: {  	v7 =	vadd.s32 v8, v7  }
0x132: {  	v8 =	vperm.xlane v7, v0;
	_ =	sdelay $0x1  }
0x133: {  	v7 =	vadd.s32 v7, v8  }
0x134: {  	v8 =	vperm.xlane v7, v1;
	_ =	sdelay $0x1  }
0x135: {  	v7 =	vadd.s32 v8, v7  }
0x136: {  	v8 =	vperm.xlane v7, v2  }
0x137: {  	_ =	strace $0x9000004C  }
0x138: {  	s15 =	simm.s32 $0x40;
	_ =	strace $0x8000004D;
	v7 =	vadd.s32 v8, v7  }
0x139: {  	v14 =	vld [tilespmem:s15+$0x30];
	v8 =	vperm.xlane v7, v4  }
0x13a: {  	v13 =	vld [tilespmem:s15+$0xFFFFFFD0]  }
0x13b: {  	v12 =	vld [tilespmem:s15+$0xFFFFFFE0];
	v7 =	vadd.s32 v8, v7  }
0x13c: {  	v11 =	vld [tilespmem:s15+$0xFFFFFFF0];
	vm0 =	vgt.s32 v7, $0x1FF  }
0x13d: {  	v10 =	vld [tilespmem:s15+$0x0];
	v7 =	vsel vm0, $0x1, v5  }
0x13e: {  	v9 =	vand.u32 $0x7FFFFFFF, v14;
	v8 =	vld [tilespmem:s15+$0x10];
	v6 =	vor.u32 v7, v6  }
0x13f: {  	v15 =	vand.u32 $0x7FFFFFFF, v13;
	v7 =	vld [tilespmem:s15+$0x20];
	vm1 =	vgt.s32 v6, v9  }
0x140: {  	s16 =	simm.s32 $0x0;
	s17 =	simm.s32 $0xC0;
	v9 =	vld [tilespmem:s15+$0xFFFFFFC0];
	vm0 =	vgt.s32 v6, v15;
	v15 =	vand.u32 $0x7FFFFFFF, v12;
	v14 =	vsel vm1, $0x0, v14  }
.LBB2_16:
0x141: {  	v16 =	vld [tilespmem:s17+$0x30];
	s16 =	sadd.s32 $0x8, s16;
	v17 =	vsel vm0, $0x0, v13;
	vm0 =	vgt.s32 v6, v15;
	v15 =	vand.u32 $0x7FFFFFFF, v11;
	[tilespmem:s15+$0x30] =	vst v14  }
0x142: {  	v13 =	vld [tilespmem:s17+$0xFFFFFFD0];
	p0 =	slt.u32 s16, $0x1F8;
	[tilespmem:s15+$0xFFFFFFD0] =	vst v17;
	v14 =	vsel vm0, $0x0, v12;
	vm0 =	vgt.s32 v6, v15;
	v15 =	vand.u32 $0x7FFFFFFF, v10  }
0x143: {  	v12 =	vld [tilespmem:s17+$0xFFFFFFE0];
	[tilespmem:s15+$0xFFFFFFE0] =	vst v14;
	v14 =	vsel vm0, $0x0, v11;
	vm0 =	vgt.s32 v6, v15;
	v15 =	vand.u32 $0x7FFFFFFF, v8  }
.Ltmp7:
0x144: {  	v11 =	vld [tilespmem:s17+$0xFFFFFFF0];
	[tilespmem:s15+$0xFFFFFFF0] =	vst v14;
	v14 =	vsel vm0, $0x0, v10;
	vm0 =	vgt.s32 v6, v15;
	v15 =	vand.u32 $0x7FFFFFFF, v7;
	(pc) =	sbr.rel @p0 .LBB2_16-.Ltmp7, $4  }
0x145: {  	v10 =	vld [tilespmem:s17+$0x0];
	v17 =	vand.u32 $0x7FFFFFFF, v9;
	[tilespmem:s15+$0x0] =	vst v14;
	v14 =	vsel vm0, $0x0, v8;
	vm0 =	vgt.s32 v6, v15  }
0x146: {  	v8 =	vld [tilespmem:s17+$0x10];
	v15 =	vand.u32 $0x7FFFFFFF, v16;
	vm1 =	vgt.s32 v6, v17;
	[tilespmem:s15+$0x10] =	vst v14;
	v14 =	vsel vm0, $0x0, v7  }
0x147: {  	v17 =	vand.u32 $0x7FFFFFFF, v13;
	v7 =	vld [tilespmem:s17+$0x20];
	vm2 =	vgt.s32 v6, v15;
	v18 =	vsel vm1, $0x0, v9;
	[tilespmem:s15+$0x20] =	vst v14  }
0x148: {  	v9 =	vld [tilespmem:s17+$0xFFFFFFC0];
	vm0 =	vgt.s32 v6, v17;
	v15 =	vand.u32 $0x7FFFFFFF, v12;
	v14 =	vsel vm2, $0x0, v16;
	[tilespmem:s15+$0xFFFFFFC0] =	vst v18;
	s15 =	smov.u32 s17;
	s17 =	sadd.s32 $0x80, s17  }
0x149: {  	v13 =	vsel vm0, $0x0, v13;
	vm11 =	vgt.s32 v6, v15;
	v15 =	vand.u32 $0x7FFFFFFF, v11;
	[tilespmem:s15+$0x30] =	vst v14  }
0x14a: {  	[tilespmem:s15+$0xFFFFFFD0] =	vst v13;
	v12 =	vsel vm11, $0x0, v12;
	vm12 =	vgt.s32 v6, v15;
	v13 =	vand.u32 $0x7FFFFFFF, v10  }
0x14b: {  	[tilespmem:s15+$0xFFFFFFE0] =	vst v12;
	v11 =	vsel vm12, $0x0, v11;
	vm13 =	vgt.s32 v6, v13;
	v12 =	vand.u32 $0x7FFFFFFF, v8  }
0x14c: {  	[tilespmem:s15+$0xFFFFFFF0] =	vst v11;
	v10 =	vsel vm13, $0x0, v10;
	vm14 =	vgt.s32 v6, v12;
	v11 =	vand.u32 $0x7FFFFFFF, v7  }
0x14d: {  	v12 =	vand.u32 $0x7FFFFFFF, v9;
	[tilespmem:s15+$0x0] =	vst v10;
	v8 =	vsel vm14, $0x0, v8;
	vm15 =	vgt.s32 v6, v11  }
0x14e: {  	vm1 =	vgt.s32 v6, v12;
	[tilespmem:s15+$0x10] =	vst v8;
	v6 =	vsel vm15, $0x0, v7  }
0x14f: {  	v7 =	vsel vm1, $0x0, v9;
	[tilespmem:s15+$0x20] =	vst v6  }
0x150: {  	[tilespmem:s15+$0xFFFFFFC0] =	vst v7  }
0x151: {  	_ =	strace $0x9000004D  }
0x152: {  	[hbm4b:s5+s11] =	stream.strided.scatter [tilespmem:s2], [sflag:$0x3], $0x2000, s8, s11, $0x38;
	[tilespmem:$0x6000] =	vst v63  }
0x153: {  	_ =	swait.ge [sflag:s12], $0x2000  }
0x154: {  	[sflag:s12] =	ssyncset.done $0x0  }
0x155: {  	[sflag:s12] =	ssyncadd.s32 $0xFFFFE000  }
0x156: {  	s17 =	simm.s32 $0x2080;
	_ =	strace $0x8000004E  }
0x157: {  	v6 =	vld [tilespmem:s17+$0xFFFFFF80]  }
0x158: {  	v7 =	vld [tilespmem:s17+$0x60]  }
0x159: {  	v8 =	vld [tilespmem:s17+$0x70]  }
0x15a: {  	v9 =	vld [tilespmem:s17+$0x50]  }
0x15b: {  	v10 =	vld [tilespmem:s17+$0x40]  }
0x15c: {  	v11 =	vld [tilespmem:s17+$0xFFFFFF90]  }
0x15d: {  	v13 =	vld [tilespmem:s17+$0xFFFFFFD0]  }
0x15e: {  	v14 =	vld [tilespmem:s17+$0xFFFFFFE0]  }
0x15f: {  	v19 =	vld [tilespmem:s17+$0x30]  }
0x160: {  	v24 =	vld [tilespmem:s17+$0xFFFFFFA0]  }
0x161: {  	v22 =	vld [tilespmem:s17+$0x10]  }
0x162: {  	v6 =	vand.u32 $0x7FFFFFFF, v6  }
0x163: {  	v7 =	vand.u32 $0x7FFFFFFF, v7;
	v8 =	vand.u32 $0x7FFFFFFF, v8;
	v18 =	vand.u32 $0x7FFFFFFF, v9  }
0x164: {  	v9 =	vand.u32 $0x7FFFFFFF, v11;
	v13 =	vand.u32 $0x7FFFFFFF, v13;
	v14 =	vand.u32 $0x7FFFFFFF, v14  }
0x165: {  	v19 =	vand.u32 $0x7FFFFFFF, v19;
	v27 =	vand.u32 $0x7FFFFFFF, v10;
	v24 =	vand.u32 $0x7FFFFFFF, v24  }
0x166: {  	v22 =	vand.u32 $0x7FFFFFFF, v22;
	v12 =	vshrl.u32 v6, $0x10;
	v6 =	vshrl.u32 v6, $0x1  }
0x167: {  	v17 =	vld [tilespmem:s17+$0xFFFFFFF0];
	v15 =	vshrl.u32 v7, $0x10;
	v16 =	vshrl.u32 v7, $0x1;
	v7 =	vand.u32 $0x7FFF0000, v8  }
0x168: {  	v20 =	vshll.u32 v18, $0xF;
	v18 =	vand.u32 $0x7FFF0000, v18;
	v11 =	vand.u32 $0x7FFF0000, v9  }
0x169: {  	v28 =	vshrl.u32 v27, $0x10;
	v63 =	vand.u32 $0x7FFF0000, v22;
	v6 =	vand.u32 $0x7FFF, v6  }
0x16a: {  	v15 =	vor.u32 v15, v7;
	v7 =	vshll.u32 v8, $0xF;
	v8 =	vand.u32 $0x7FFF, v16  }
0x16b: {  	v20 =	vand.u32 $0x7FFF0000, v20;
	v23 =	vor.u32 v12, v11;
	v12 =	vand.u32 $0x7FFF0000, v13  }
0x16c: {  	v11 =	vshll.u32 v13, $0xF;
	v13 =	vand.u32 $0x7FFFFFFF, v17;
	v17 =	vshrl.u32 v14, $0x10  }
0x16d: {  	v21 =	vld [tilespmem:s17+$0x20];
	v14 =	vshrl.u32 v14, $0x1;
	v26 =	vand.u32 $0x7FFF0000, v13;
	v10 =	vand.u32 $0x7FFF0000, v11  }
0x16e: {  	v16 =	vld [tilespmem:s17+$0x0];
	v29 =	vshll.u32 v13, $0xF;
	v11 =	vand.u32 $0x7FFF0000, v19;
	v13 =	vshll.u32 v19, $0xF  }
0x16f: {  	s16 =	simm.s32 $0x4040;
	v25 =	vld [tilespmem:s17+$0xFFFFFFB0];
	v19 =	vshrl.u32 v24, $0x10;
	v26 =	vor.u32 v17, v26;
	v17 =	vshrl.u32 v27, $0x1  }
0x170: {  	[tilespmem:s16+$0x30] =	vst v15;
	v15 =	vshrl.u32 v24, $0x1;
	v14 =	vand.u32 $0x7FFF, v14;
	v17 =	vand.u32 $0x7FFF, v17  }
0x171: {  	[tilespmem:s16+$0xFFFFFFC0] =	vst v23;
	v23 =	vshll.u32 v22, $0xF;
	v30 =	vor.u32 v17, v20;
	v20 =	vand.u32 $0x7FFF0000, v29  }
0x172: {  	v15 =	vand.u32 $0x7FFF, v15;
	v20 =	vor.u32 v14, v20;
	v14 =	vor.u32 v28, v18  }
0x173: {  	v23 =	vand.u32 $0x7FFF0000, v23;
	v27 =	vand.u32 $0x7FFFFFFF, v16;
	v16 =	vand.u32 $0x7FFFFFFF, v21;
	[tilespmem:s16+$0x20] =	vst v14;
	v14 =	vld [tilespmem:s17+$0xFFFFFFC0]  }
0x174: {  	v21 =	vand.u32 $0x7FFFFFFF, v25;
	v25 =	vshrl.u32 v27, $0x1;
	v17 =	vshrl.u32 v16, $0x1  }
0x175: {  	s18 =	simm.s32 $0x0;
	s15 =	simm.s32 $0x5040;
	[tilespmem:s16+$0xFFFFFFF0] =	vst v26;
	v27 =	vshrl.u32 v27, $0x10;
	v26 =	vshll.u32 v21, $0xF;
	v24 =	vand.u32 $0x7FFF0000, v21  }
0x176: {  	s19 =	simm.s32 $0x2180;
	s20 =	simm.s32 $0x5040;
	s17 =	simm.s32 $0x4040;
	v22 =	vand.u32 $0x7FFF, v25;
	v18 =	vand.u32 $0x7FFF0000, v26;
	v21 =	vor.u32 v27, v63;
	[tilespmem:s15+$0x20] =	vst v30  }
.LBB2_18:
0x177: {  	v25 =	vld [tilespmem:s19+$0xFFFFFF80];
	s18 =	sadd.s32 $0x8, s18;
	v19 =	vor.u32 v19, v24;
	[tilespmem:s15+$0xFFFFFFF0] =	vst v20;
	v20 =	vor.u32 v22, v23;
	v16 =	vshrl.u32 v16, $0x10;
	s20 =	sadd.s32 $0x80, s20;
	s16 =	sadd.s32 $0x80, s16  }
0x178: {  	v14 =	vand.u32 $0x7FFFFFFF, v14;
	v17 =	vand.u32 $0x7FFF, v17;
	v13 =	vand.u32 $0x7FFF0000, v13;
	v22 =	vld [tilespmem:s19+$0x40];
	p0 =	slt.u32 s18, $0xF8  }
0x179: {  	v9 =	vshll.u32 v9, $0xF;
	v24 =	vshrl.u32 v14, $0x10;
	v13 =	vor.u32 v17, v13;
	v23 =	vld [tilespmem:s19+$0x60];
	[tilespmem:s17+$0x0] =	vst v21  }
0x17a: {  	v9 =	vand.u32 $0x7FFF0000, v9;
	v14 =	vshrl.u32 v14, $0x1;
	v12 =	vor.u32 v24, v12;
	v17 =	vld [tilespmem:s19+$0x70];
	[tilespmem:s15+$0x0] =	vst v20  }
0x17b: {  	v15 =	vor.u32 v15, v18;
	v6 =	vor.u32 v6, v9;
	v9 =	vand.u32 $0x7FFF, v14;
	v20 =	vld [tilespmem:s19+$0x50];
	[tilespmem:s17+$0xFFFFFFE0] =	vst v12  }
0x17c: {  	v7 =	vand.u32 $0x7FFF0000, v7;
	v9 =	vor.u32 v9, v10;
	v12 =	vand.u32 $0x7FFFFFFF, v25;
	v18 =	vld [tilespmem:s19+$0xFFFFFFF0];
	[tilespmem:s17+$0xFFFFFFD0] =	vst v19  }
0x17d: {  	v10 =	vld [tilespmem:s19+$0xFFFFFF90];
	v19 =	vshrl.u32 v12, $0x10;
	v12 =	vshrl.u32 v12, $0x1;
	[tilespmem:s15+$0xFFFFFFC0] =	vst v6;
	v6 =	vor.u32 v8, v7  }
0x17e: {  	v8 =	vor.u32 v16, v11;
	v21 =	vld [tilespmem:s19+$0xFFFFFFD0];
	v7 =	vand.u32 $0x7FFFFFFF, v23;
	[tilespmem:s15+$0x30] =	vst v6  }
0x17f: {  	v11 =	vld [tilespmem:s19+$0xFFFFFFE0];
	v16 =	vand.u32 $0x7FFFFFFF, v17;
	v17 =	vshrl.u32 v7, $0x10;
	v23 =	vshrl.u32 v7, $0x1;
	[tilespmem:s17+$0x10] =	vst v8;
	s17 =	smov.u32 s16  }
0x180: {  	v6 =	vand.u32 $0x7FFF, v12;
	v14 =	vld [tilespmem:s19+$0xFFFFFFC0];
	v8 =	vand.u32 $0x7FFFFFFF, v20;
	v7 =	vand.u32 $0x7FFF0000, v16;
	[tilespmem:s15+$0xFFFFFFE0] =	vst v9  }
0x181: {  	v20 =	vld [tilespmem:s19+$0x30];
	v12 =	vshll.u32 v8, $0xF;
	v17 =	vor.u32 v17, v7;
	v7 =	vshll.u32 v16, $0xF;
	[tilespmem:s15+$0x10] =	vst v13  }
0x182: {  	v24 =	vand.u32 $0x7FFF0000, v8;
	v8 =	vand.u32 $0x7FFF, v23;
	v9 =	vand.u32 $0x7FFFFFFF, v10;
	v16 =	vld [tilespmem:s19+$0x20];
	[tilespmem:s15+$0xFFFFFFD0] =	vst v15;
	s15 =	smov.u32 s20  }
0x183: {  	v10 =	vand.u32 $0x7FFF0000, v9;
	v13 =	vand.u32 $0x7FFFFFFF, v21;
	v15 =	vld [tilespmem:s19+$0x10];
	v21 =	vand.u32 $0x7FFF0000, v12;
	[tilespmem:s16+$0x30] =	vst v17  }
0x184: {  	v10 =	vor.u32 v19, v10;
	v12 =	vand.u32 $0x7FFF0000, v13;
	v17 =	vand.u32 $0x7FFFFFFF, v11;
	v19 =	vld [tilespmem:s19+$0x0]  }
0x185: {  	v11 =	vand.u32 $0x7FFFFFFF, v18;
	[tilespmem:s16+$0xFFFFFFC0] =	vst v10;
	v23 =	vld [tilespmem:s19+$0xFFFFFFA0];
	v10 =	vshll.u32 v13, $0xF;
	v13 =	vshrl.u32 v17, $0x10  }
0x186: {  	v22 =	vand.u32 $0x7FFFFFFF, v22;
	v25 =	vand.u32 $0x7FFF0000, v11;
	v18 =	vld [tilespmem:s19+$0xFFFFFFB0];
	v20 =	vand.u32 $0x7FFFFFFF, v20  }
0x187: {  	v10 =	vand.u32 $0x7FFF0000, v10;
	v13 =	vor.u32 v13, v25;
	v25 =	vshrl.u32 v22, $0x10  }
0x188: {  	v26 =	vshll.u32 v11, $0xF;
	v22 =	vshrl.u32 v22, $0x1;
	v11 =	vand.u32 $0x7FFF0000, v20;
	[tilespmem:s16+$0xFFFFFFF0] =	vst v13  }
0x189: {  	v27 =	vshrl.u32 v17, $0x1;
	v13 =	vshll.u32 v20, $0xF;
	v20 =	vand.u32 $0x7FFF, v22  }
0x18a: {  	v16 =	vand.u32 $0x7FFFFFFF, v16;
	v22 =	vand.u32 $0x7FFFFFFF, v23;
	v23 =	vand.u32 $0x7FFFFFFF, v19  }
0x18b: {  	v28 =	vand.u32 $0x7FFFFFFF, v15;
	v18 =	vand.u32 $0x7FFFFFFF, v18;
	v29 =	vshrl.u32 v23, $0x1  }
0x18c: {  	v17 =	vshrl.u32 v16, $0x1;
	v30 =	vor.u32 v20, v21;
	v19 =	vshrl.u32 v22, $0x10  }
.Ltmp8:
0x18d: {  	v20 =	vand.u32 $0x7FFF, v27;
	v15 =	vshrl.u32 v22, $0x1;
	v21 =	vshrl.u32 v23, $0x10;
	(pc) =	sbr.rel @p0 .LBB2_18-.Ltmp8, $4  }
0x18e: {  	v22 =	vand.u32 $0x7FFF0000, v26;
	v23 =	vshll.u32 v28, $0xF;
	v15 =	vand.u32 $0x7FFF, v15  }
0x18f: {  	v24 =	vor.u32 v25, v24;
	v26 =	vshll.u32 v18, $0xF;
	v20 =	vor.u32 v20, v22  }
0x190: {  	v25 =	vand.u32 $0x7FFF0000, v28;
	v22 =	vand.u32 $0x7FFF, v29;
	v23 =	vand.u32 $0x7FFF0000, v23;
	[tilespmem:s16+$0x20] =	vst v24  }
0x191: {  	s19 =	sadd.s32 $0x100, s19;
	v21 =	vor.u32 v21, v25;
	v24 =	vand.u32 $0x7FFF0000, v18;
	v18 =	vand.u32 $0x7FFF0000, v26;
	[tilespmem:s20+$0x20] =	vst v30  }
0x192: {  	[tilespmem:s15+$0xFFFFFFF0] =	vst v20  }
0x193: {  	v14 =	vand.u32 $0x7FFFFFFF, v14;
	v59 =	vor.u32 v22, v23;
	[tilespmem:s17+$0x0] =	vst v21  }
0x194: {  	v9 =	vshll.u32 v9, $0xF;
	v19 =	vor.u32 v19, v24;
	v60 =	vshrl.u32 v14, $0x10;
	[tilespmem:s15+$0x0] =	vst v59  }
0x195: {  	v9 =	vand.u32 $0x7FFF0000, v9;
	[tilespmem:s17+$0xFFFFFFD0] =	vst v19;
	v12 =	vor.u32 v60, v12  }
0x196: {  	v7 =	vand.u32 $0x7FFF0000, v7;
	v6 =	vor.u32 v6, v9;
	[tilespmem:s17+$0xFFFFFFE0] =	vst v12  }
0x197: {  	v61 =	vshrl.u32 v16, $0x10;
	v62 =	vshrl.u32 v14, $0x1;
	[tilespmem:s15+$0xFFFFFFC0] =	vst v6;
	v6 =	vor.u32 v8, v7  }
0x198: {  	v7 =	vand.u32 $0x7FFF, v62;
	v8 =	vor.u32 v61, v11;
	[tilespmem:s15+$0x30] =	vst v6  }
0x199: {  	v63 =	vand.u32 $0x7FFF0000, v13;
	v6 =	vand.u32 $0x7FFF, v17;
	v7 =	vor.u32 v7, v10;
	[tilespmem:s17+$0x10] =	vst v8  }
0x19a: {  	v6 =	vor.u32 v6, v63;
	[tilespmem:s15+$0xFFFFFFE0] =	vst v7  }
0x19b: {  	v7 =	vor.u32 v15, v18;
	[tilespmem:s15+$0x10] =	vst v6  }
0x19c: {  	[tilespmem:s15+$0xFFFFFFD0] =	vst v7  }
0x19d: {  	_ =	strace $0x9000004E  }
0x19e: {  	s15 =	simm.s32 $0x0;
	v7 =	vimm.s32 $0x0;
	_ =	strace $0x8000004F  }
.LBB2_20:
0x19f: {  	s17 =	simm.s32 $0x4040  }
0x1a0: {  	v8 =	vld [tilespmem:s17+$0x30]  }
0x1a1: {  	v9 =	vld [tilespmem:s17+$0x20]  }
0x1a2: {  	s16 =	ssub.s32 $0xE, s15;
	v11 =	vld [tilespmem:s17+$0x10]  }
0x1a3: {  	v6 =	vshll.u32 v3, s16;
	v13 =	vld [tilespmem:s17+$0xFFFFFFC0]  }
0x1a4: {  	v16 =	vld [tilespmem:s17+$0x0];
	v6 =	vbroadcast v6, $0x0  }
0x1a5: {  	v12 =	vld [tilespmem:s17+$0xFFFFFFF0]  }
0x1a6: {  	v14 =	vld [tilespmem:s17+$0xFFFFFFD0];
	v6 =	vor.u32 v7, v6  }
0x1a7: {  	v15 =	vld [tilespmem:s17+$0xFFFFFFE0];
	v10 =	vshll.u32 v6, $0x10  }
0x1a8: {  	v10 =	vor.u32 v6, v10  }
0x1a9: {  	v9 =	vsub.s16 v9, v10;
	v8 =	vsub.s16 v8, v10;
	v17 =	vsub.s16 v13, v10  }
0x1aa: {  	s16 =	simm.s32 $0x0;
	s17 =	simm.s32 $0x40C0;
	v13 =	vsub.s16 v16, v10;
	v11 =	vsub.s16 v11, v10;
	v16 =	vimm.s32 $0x0  }
.LBB2_21:
0x1ab: {  	v18 =	vld [tilespmem:s17+$0x30];
	v17 =	vshrl.u32 v17, $0xF;
	v14 =	vsub.s16 v14, v10;
	v12 =	vsub.s16 v12, v10  }
0x1ac: {  	v19 =	vld [tilespmem:s17+$0x20];
	v17 =	vand.u32 $0x10001, v17;
	v14 =	vshrl.u32 v14, $0xF;
	v15 =	vsub.s16 v15, v10  }
0x1ad: {  	v20 =	vld [tilespmem:s17+$0x10];
	v16 =	vadd.s32 v16, v17;
	v14 =	vand.u32 $0x10001, v14;
	v15 =	vshrl.u32 v15, $0xF  }
0x1ae: {  	v21 =	vld [tilespmem:s17+$0x0];
	v14 =	vadd.s32 v14, v16;
	v15 =	vand.u32 $0x10001, v15;
	v16 =	vshrl.u32 v12, $0xF  }
0x1af: {  	v13 =	vshrl.u32 v13, $0xF;
	s16 =	sadd.s32 $0x8, s16;
	v12 =	vld [tilespmem:s17+$0xFFFFFFF0];
	v14 =	vadd.s32 v15, v14;
	v15 =	vand.u32 $0x10001, v16  }
0x1b0: {  	v11 =	vshrl.u32 v11, $0xF;
	v13 =	vand.u32 $0x10001, v13;
	p0 =	slt.u32 s16, $0xF8;
	v17 =	vld [tilespmem:s17+$0xFFFFFFC0];
	v15 =	vadd.s32 v15, v14  }
.Ltmp9:
0x1b1: {  	v9 =	vshrl.u32 v9, $0xF;
	v11 =	vand.u32 $0x10001, v11;
	v14 =	vld [tilespmem:s17+$0xFFFFFFD0];
	v13 =	vadd.s32 v13, v15;
	(pc) =	sbr.rel @p0 .LBB2_21-.Ltmp9, $4  }
0x1b2: {  	v8 =	vshrl.u32 v8, $0xF;
	v9 =	vand.u32 $0x10001, v9;
	v15 =	vld [tilespmem:s17+$0xFFFFFFE0];
	v11 =	vadd.s32 v11, v13  }
0x1b3: {  	v13 =	vand.u32 $0x10001, v8;
	v11 =	vadd.s32 v9, v11  }
0x1b4: {  	v8 =	vsub.s16 v18, v10;
	v9 =	vsub.s16 v19, v10;
	v16 =	vadd.s32 v13, v11  }
0x1b5: {  	s17 =	sadd.s32 $0x80, s17;
	v13 =	vsub.s16 v21, v10;
	v11 =	vsub.s16 v20, v10;
	v17 =	vsub.s16 v17, v10  }
0x1b6: {  	v17 =	vshrl.u32 v17, $0xF;
	v14 =	vsub.s16 v14, v10;
	v12 =	vsub.s16 v12, v10  }
0x1b7: {  	v17 =	vand.u32 $0x10001, v17;
	v14 =	vshrl.u32 v14, $0xF;
	v61 =	vsub.s16 v15, v10  }
0x1b8: {  	v62 =	vadd.s32 v16, v17;
	v14 =	vand.u32 $0x10001, v14;
	v10 =	vshrl.u32 v61, $0xF  }
0x1b9: {  	v12 =	vshrl.u32 v12, $0xF;
	v14 =	vadd.s32 v14, v62;
	v10 =	vand.u32 $0x10001, v10  }
0x1ba: {  	v13 =	vshrl.u32 v13, $0xF;
	v12 =	vand.u32 $0x10001, v12;
	v10 =	vadd.s32 v10, v14  }
0x1bb: {  	v11 =	vshrl.u32 v11, $0xF;
	v63 =	vand.u32 $0x10001, v13;
	v10 =	vadd.s32 v12, v10  }
0x1bc: {  	v9 =	vshrl.u32 v9, $0xF;
	v11 =	vand.u32 $0x10001, v11;
	v10 =	vadd.s32 v63, v10  }
0x1bd: {  	v8 =	vshrl.u32 v8, $0xF;
	v9 =	vand.u32 $0x10001, v9;
	v10 =	vadd.s32 v11, v10  }
0x1be: {  	v8 =	vand.u32 $0x10001, v8;
	v9 =	vadd.s32 v9, v10  }
0x1bf: {  	v8 =	vadd.s32 v8, v9  }
0x1c0: {  	v9 =	vand.u32 $0xFFFF, v8;
	v8 =	vshra.s32 v8, $0x10  }
0x1c1: {  	v8 =	vadd.s32 v8, v9  }
0x1c2: {  	v9 =	vperm.xlane v8, v0;
	_ =	sdelay $0x1  }
0x1c3: {  	v8 =	vadd.s32 v8, v9  }
0x1c4: {  	v9 =	vperm.xlane v8, v1;
	_ =	sdelay $0x1  }
0x1c5: {  	v8 =	vadd.s32 v9, v8  }
0x1c6: {  	v9 =	vperm.xlane v8, v2;
	_ =	sdelay $0x1  }
0x1c7: {  	s15 =	sadd.s32 $0x1, s15;
	v8 =	vadd.s32 v9, v8  }
0x1c8: {  	p0 =	sne.s32 s15, $0xF;
	v9 =	vperm.xlane v8, v4  }
.Ltmp10:
0x1c9: {  	_ = 	snop;
	(pc) =	sbr.rel @p0 .LBB2_20-.Ltmp10, $4  }
0x1ca: {  	v8 =	vadd.s32 v8, v9  }
0x1cb: {  	v8 =	vadd.s32 $0xFFFFDFFF, v8  }
0x1cc: {  	vm0 =	vlt.s32 v8, $0xFFFFFE00  }
0x1cd: {  	v7 =	vsel vm0, v6, v7  }
0x1ce: {  	_ =	strace $0x9000004F  }
0x1cf: {  	s16 =	simm.s32 $0x4040;
	_ =	strace $0x80000050  }
0x1d0: {  	v8 =	vld [tilespmem:s16+$0x30]  }
0x1d1: {  	v9 =	vld [tilespmem:s16+$0xFFFFFFD0]  }
0x1d2: {  	v10 =	vld [tilespmem:s16+$0xFFFFFFE0]  }
0x1d3: {  	v11 =	vld [tilespmem:s16+$0xFFFFFFF0]  }
0x1d4: {  	v12 =	vld [tilespmem:s16+$0x0]  }
0x1d5: {  	v6 =	vshll.u32 v7, $0x10;
	v13 =	vld [tilespmem:s16+$0x10]  }
0x1d6: {  	v7 =	vor.u32 v7, v6  }
0x1d7: {  	v14 =	vsub.s16 v8, v7;
	v8 =	vsub.s16 v7, v8  }
0x1d8: {  	v15 =	vsub.s16 v9, v7;
	v9 =	vsub.s16 v7, v9;
	v19 =	vsub.s16 v10, v7  }
0x1d9: {  	v10 =	vsub.s16 v7, v10;
	v20 =	vsub.s16 v11, v7;
	v11 =	vsub.s16 v7, v11  }
0x1da: {  	v21 =	vsub.s16 v12, v7;
	v12 =	vsub.s16 v7, v12;
	v23 =	vsub.s16 v13, v7  }
0x1db: {  	v13 =	vsub.s16 v7, v13;
	v14 =	vshrl.u32 v14, $0xF;
	v8 =	vshrl.u32 v8, $0xF  }
0x1dc: {  	s15 =	simm.s32 $0x5040;
	v15 =	vshrl.u32 v15, $0xF;
	v9 =	vshrl.u32 v9, $0xF;
	v10 =	vshrl.u32 v10, $0xF  }
0x1dd: {  	v16 =	vld [tilespmem:s15+$0x30];
	v11 =	vshrl.u32 v11, $0xF;
	v12 =	vshrl.u32 v12, $0xF;
	v13 =	vshrl.u32 v13, $0xF  }
0x1de: {  	v17 =	vld [tilespmem:s16+$0x20];
	v14 =	vand.u32 $0x10001, v14;
	v8 =	vand.u32 $0x10001, v8;
	v15 =	vand.u32 $0x10001, v15  }
0x1df: {  	v18 =	vld [tilespmem:s16+$0xFFFFFFC0];
	v10 =	vand.u32 $0x10001, v10;
	v14 =	vmul.u32 $0xFFFF, v14;
	v8 =	vmul.u32 $0xFFFF, v8  }
0x1e0: {  	v25 =	vand.u32 $0x10001, v11;
	v27 =	vand.u32 $0x10001, v12;
	v28 =	vand.u32 $0x10001, v13  }
0x1e1: {  	v34 =	vmul.u32 $0xFFFF, v10;
	v35 =	vmul.u32 $0xFFFF, v25;
	v22 =	vor.u32 v8, v14  }
0x1e2: {  	v36 =	vmul.u32 $0xFFFF, v27;
	v8 =	vand.u32 $0x7FFF7FFF, v8;
	v16 =	vandn.u32 v16, v22  }
0x1e3: {  	v37 =	vmul.u32 $0xFFFF, v28;
	v22 =	vsub.s16 v17, v7;
	v8 =	vor.u32 v16, v8  }
0x1e4: {  	v16 =	vsub.s16 v18, v7;
	v18 =	vsub.s16 v7, v18;
	v24 =	vor.u32 v14, v8  }
0x1e5: {  	v8 =	vshrl.u32 v16, $0xF;
	v14 =	vshrl.u32 v18, $0xF;
	v16 =	vsub.s16 v7, v17  }
0x1e6: {  	v17 =	vshrl.u32 v19, $0xF;
	v18 =	vshrl.u32 v20, $0xF;
	v19 =	vshrl.u32 v21, $0xF  }
0x1e7: {  	v20 =	vshrl.u32 v23, $0xF;
	v21 =	vshrl.u32 v22, $0xF;
	v22 =	vand.u32 $0x10001, v9  }
0x1e8: {  	v9 =	vmul.u32 $0xFFFF, v15;
	v16 =	vshrl.u32 v16, $0xF;
	v8 =	vand.u32 $0x10001, v8  }
0x1e9: {  	v26 =	vld [tilespmem:s15+$0xFFFFFFD0];
	v14 =	vand.u32 $0x10001, v14;
	v17 =	vand.u32 $0x10001, v17;
	v18 =	vand.u32 $0x10001, v18  }
0x1ea: {  	v29 =	vld [tilespmem:s15+$0xFFFFFFE0];
	v19 =	vand.u32 $0x10001, v19;
	v20 =	vand.u32 $0x10001, v20;
	v21 =	vand.u32 $0x10001, v21  }
0x1eb: {  	v23 =	vld [tilespmem:s15+$0xFFFFFFC0];
	v32 =	vmul.u32 $0xFFFF, v22;
	[tilespmem:s15+$0x30] =	vst v24;
	v24 =	vand.u32 $0x7FFF7FFF, v36;
	v8 =	vmul.u32 $0xFFFF, v8  }
0x1ec: {  	v30 =	vld [tilespmem:s15+$0xFFFFFFF0];
	v16 =	vand.u32 $0x10001, v16;
	v31 =	vmul.u32 $0xFFFF, v14;
	v11 =	vmul.u32 $0xFFFF, v17  }
0x1ed: {  	v33 =	vld [tilespmem:s15+$0x0];
	v12 =	vmul.u32 $0xFFFF, v18;
	v10 =	vmul.u32 $0xFFFF, v19;
	v13 =	vmul.u32 $0xFFFF, v20  }
0x1ee: {  	v25 =	vld [tilespmem:s15+$0x20];
	v14 =	vmul.u32 $0xFFFF, v21;
	v19 =	vor.u32 v32, v9;
	v15 =	vmul.u32 $0xFFFF, v16  }
0x1ef: {  	v17 =	vld [tilespmem:s15+$0x10];
	v18 =	vor.u32 v31, v8;
	v16 =	vor.u32 v34, v11;
	v27 =	vor.u32 v35, v12  }
0x1f0: {  	v28 =	vor.u32 v36, v10;
	v22 =	vandn.u32 v26, v19;
	v20 =	vandn.u32 v23, v18  }
0x1f1: {  	v23 =	vor.u32 v37, v13;
	v26 =	vor.u32 v15, v14;
	v21 =	vandn.u32 v29, v16  }
0x1f2: {  	v19 =	vandn.u32 v30, v27;
	v18 =	vandn.u32 v33, v28;
	v27 =	vand.u32 $0x7FFF7FFF, v31  }
0x1f3: {  	v28 =	vand.u32 $0x7FFF7FFF, v32;
	v16 =	vandn.u32 v25, v26;
	v25 =	vand.u32 $0x7FFF7FFF, v34  }
0x1f4: {  	s17 =	simm.s32 $0x0;
	s18 =	simm.s32 $0x40C0;
	s16 =	simm.s32 $0x5040;
	v26 =	vand.u32 $0x7FFF7FFF, v35;
	v17 =	vandn.u32 v17, v23;
	v23 =	vand.u32 $0x7FFF7FFF, v37  }
.LBB2_24:
0x1f5: {  	v29 =	vld [tilespmem:s18+$0x30];
	s17 =	sadd.s32 $0x8, s17;
	v20 =	vor.u32 v20, v27;
	v22 =	vor.u32 v22, v28;
	v15 =	vand.u32 $0x7FFF7FFF, v15  }
0x1f6: {  	v21 =	vor.u32 v21, v25;
	v19 =	vor.u32 v19, v26;
	v18 =	vor.u32 v18, v24;
	v27 =	vld [tilespmem:s18+$0xFFFFFFD0];
	p0 =	slt.u32 s17, $0xF8  }
0x1f7: {  	v17 =	vor.u32 v17, v23;
	v8 =	vor.u32 v8, v20;
	v15 =	vor.u32 v16, v15;
	v24 =	vld [tilespmem:s18+$0xFFFFFFE0]  }
0x1f8: {  	v16 =	vld [tilespmem:s18+$0xFFFFFFF0];
	[tilespmem:s15+$0xFFFFFFC0] =	vst v8;
	v8 =	vor.u32 v9, v22;
	v9 =	vor.u32 v11, v21;
	v11 =	vor.u32 v12, v19  }
0x1f9: {  	v12 =	vld [tilespmem:s18+$0x0];
	[tilespmem:s15+$0xFFFFFFD0] =	vst v8;
	v8 =	vor.u32 v10, v18;
	v10 =	vor.u32 v13, v17;
	v13 =	vor.u32 v14, v15  }
0x1fa: {  	s15 =	sadd.s32 $0x80, s15;
	v14 =	vld [tilespmem:s18+$0x10];
	v15 =	vsub.s16 v29, v7;
	v17 =	vsub.s16 v7, v29;
	[tilespmem:s16+$0xFFFFFFE0] =	vst v9  }
0x1fb: {  	v9 =	vsub.s16 v27, v7;
	v18 =	vld [tilespmem:s15+$0x30];
	v15 =	vshrl.u32 v15, $0xF;
	v17 =	vshrl.u32 v17, $0xF;
	[tilespmem:s16+$0xFFFFFFF0] =	vst v11  }
0x1fc: {  	v11 =	vsub.s16 v7, v27;
	v19 =	vld [tilespmem:s18+$0x20];
	v15 =	vand.u32 $0x10001, v15;
	v17 =	vand.u32 $0x10001, v17;
	[tilespmem:s16+$0x0] =	vst v8  }
0x1fd: {  	v20 =	vsub.s16 v24, v7;
	v8 =	vld [tilespmem:s18+$0xFFFFFFC0];
	v15 =	vmul.u32 $0xFFFF, v15;
	v17 =	vmul.u32 $0xFFFF, v17;
	[tilespmem:s16+$0x10] =	vst v10  }
0x1fe: {  	v10 =	vsub.s16 v7, v24;
	v22 =	vsub.s16 v16, v7;
	v16 =	vsub.s16 v7, v16;
	v21 =	vld [tilespmem:s15+$0xFFFFFFC0];
	[tilespmem:s16+$0x20] =	vst v13;
	s16 =	smov.u32 s15  }
0x1ff: {  	v13 =	vsub.s16 v12, v7;
	v12 =	vsub.s16 v7, v12;
	v23 =	vld [tilespmem:s15+$0xFFFFFFD0];
	v24 =	vor.u32 v17, v15  }
0x200: {  	v26 =	vsub.s16 v14, v7;
	v17 =	vand.u32 $0x7FFF7FFF, v17;
	v25 =	vld [tilespmem:s15+$0xFFFFFFE0];
	v18 =	vandn.u32 v18, v24  }
0x201: {  	v14 =	vsub.s16 v7, v14;
	v24 =	vld [tilespmem:s15+$0xFFFFFFF0];
	v27 =	vsub.s16 v19, v7;
	v17 =	vor.u32 v18, v17  }
0x202: {  	v18 =	vsub.s16 v8, v7;
	v8 =	vsub.s16 v7, v8;
	v28 =	vld [tilespmem:s15+$0x0];
	v15 =	vor.u32 v15, v17  }
0x203: {  	v17 =	vshrl.u32 v18, $0xF;
	v8 =	vshrl.u32 v8, $0xF;
	v29 =	vld [tilespmem:s15+$0x10];
	v18 =	vsub.s16 v7, v19;
	[tilespmem:s15+$0x30] =	vst v15  }
0x204: {  	v9 =	vshrl.u32 v9, $0xF;
	v11 =	vshrl.u32 v11, $0xF;
	v15 =	vshrl.u32 v20, $0xF;
	v30 =	vld [tilespmem:s15+$0x20]  }
0x205: {  	v10 =	vshrl.u32 v10, $0xF;
	v16 =	vshrl.u32 v16, $0xF;
	v19 =	vshrl.u32 v22, $0xF  }
0x206: {  	v13 =	vshrl.u32 v13, $0xF;
	v12 =	vshrl.u32 v12, $0xF;
	v20 =	vshrl.u32 v26, $0xF  }
0x207: {  	v14 =	vshrl.u32 v14, $0xF;
	v22 =	vshrl.u32 v27, $0xF;
	v18 =	vshrl.u32 v18, $0xF  }
0x208: {  	v9 =	vand.u32 $0x10001, v9;
	v17 =	vand.u32 $0x10001, v17;
	v26 =	vand.u32 $0x10001, v8  }
0x209: {  	v11 =	vand.u32 $0x10001, v11;
	v10 =	vand.u32 $0x10001, v10;
	v15 =	vand.u32 $0x10001, v15  }
0x20a: {  	v16 =	vand.u32 $0x10001, v16;
	v13 =	vand.u32 $0x10001, v13;
	v19 =	vand.u32 $0x10001, v19  }
0x20b: {  	v14 =	vand.u32 $0x10001, v14;
	v27 =	vand.u32 $0x10001, v12;
	v20 =	vand.u32 $0x10001, v20  }
0x20c: {  	v8 =	vmul.u32 $0xFFFF, v17;
	v17 =	vand.u32 $0x10001, v22;
	v18 =	vand.u32 $0x10001, v18  }
0x20d: {  	v9 =	vmul.u32 $0xFFFF, v9;
	v31 =	vmul.u32 $0xFFFF, v11;
	v26 =	vmul.u32 $0xFFFF, v26  }
0x20e: {  	v32 =	vmul.u32 $0xFFFF, v10;
	v11 =	vmul.u32 $0xFFFF, v15;
	v12 =	vmul.u32 $0xFFFF, v19  }
0x20f: {  	v33 =	vmul.u32 $0xFFFF, v16;
	v10 =	vmul.u32 $0xFFFF, v13;
	v34 =	vmul.u32 $0xFFFF, v27  }
0x210: {  	v35 =	vmul.u32 $0xFFFF, v14;
	v13 =	vmul.u32 $0xFFFF, v20;
	v14 =	vmul.u32 $0xFFFF, v17  }
0x211: {  	v17 =	vor.u32 v31, v9;
	v15 =	vmul.u32 $0xFFFF, v18;
	v16 =	vor.u32 v26, v8  }
0x212: {  	v27 =	vor.u32 v34, v10;
	v18 =	vor.u32 v32, v11;
	v19 =	vor.u32 v33, v12  }
.Ltmp11:
0x213: {  	v20 =	vandn.u32 v21, v16;
	v16 =	vor.u32 v35, v13;
	v36 =	vor.u32 v15, v14;
	(pc) =	sbr.rel @p0 .LBB2_24-.Ltmp11, $4  }
0x214: {  	v22 =	vandn.u32 v23, v17;
	v21 =	vandn.u32 v25, v18;
	v19 =	vandn.u32 v24, v19  }
0x215: {  	v18 =	vandn.u32 v28, v27;
	v17 =	vandn.u32 v29, v16;
	v16 =	vandn.u32 v30, v36  }
0x216: {  	v27 =	vand.u32 $0x7FFF7FFF, v26;
	v28 =	vand.u32 $0x7FFF7FFF, v31;
	v25 =	vand.u32 $0x7FFF7FFF, v32  }
0x217: {  	s18 =	sadd.s32 $0x80, s18;
	v23 =	vand.u32 $0x7FFF7FFF, v35;
	v26 =	vand.u32 $0x7FFF7FFF, v33;
	v24 =	vand.u32 $0x7FFF7FFF, v34  }
0x218: {  	v7 =	vor.u32 v20, v27  }
0x219: {  	v62 =	vor.u32 v17, v23;
	v7 =	vor.u32 v8, v7  }
0x21a: {  	v60 =	vor.u32 v22, v28;
	v63 =	vor.u32 v13, v62;
	[tilespmem:s15+$0xFFFFFFC0] =	vst v7  }
0x21b: {  	v8 =	vor.u32 v21, v25;
	v7 =	vor.u32 v9, v60;
	[tilespmem:s16+$0x10] =	vst v63  }
0x21c: {  	v61 =	vor.u32 v19, v26;
	v8 =	vor.u32 v11, v8;
	[tilespmem:s15+$0xFFFFFFD0] =	vst v7  }
0x21d: {  	v9 =	vor.u32 v12, v61;
	v7 =	vor.u32 v18, v24;
	[tilespmem:s16+$0xFFFFFFE0] =	vst v8;
	v8 =	vand.u32 $0x7FFF7FFF, v15  }
0x21e: {  	[tilespmem:s16+$0xFFFFFFF0] =	vst v9;
	v7 =	vor.u32 v10, v7;
	v8 =	vor.u32 v16, v8  }
0x21f: {  	[tilespmem:s16+$0x0] =	vst v7;
	v7 =	vor.u32 v14, v8  }
0x220: {  	[tilespmem:s16+$0x20] =	vst v7  }
0x221: {  	_ =	strace $0x90000050  }
0x222: {  	s15 =	simm.s32 $0x0;
	v7 =	vimm.s32 $0x0;
	_ =	strace $0x80000051  }
.LBB2_26:
0x223: {  	s17 =	simm.s32 $0x5040  }
0x224: {  	v9 =	vld [tilespmem:s17+$0x30]  }
0x225: {  	v10 =	vld [tilespmem:s17+$0x20]  }
0x226: {  	s16 =	ssub.s32 $0xE, s15;
	v12 =	vld [tilespmem:s17+$0x10]  }
0x227: {  	v8 =	vshll.u32 v3, s16;
	v14 =	vld [tilespmem:s17+$0xFFFFFFC0]  }
0x228: {  	v17 =	vld [tilespmem:s17+$0x0];
	v8 =	vbroadcast v8, $0x0  }
0x229: {  	v13 =	vld [tilespmem:s17+$0xFFFFFFF0]  }
0x22a: {  	v15 =	vld [tilespmem:s17+$0xFFFFFFD0];
	v8 =	vor.u32 v7, v8  }
0x22b: {  	v16 =	vld [tilespmem:s17+$0xFFFFFFE0];
	v11 =	vshll.u32 v8, $0x10  }
0x22c: {  	v11 =	vor.u32 v8, v11  }
0x22d: {  	v10 =	vsub.s16 v10, v11;
	v9 =	vsub.s16 v9, v11;
	v18 =	vsub.s16 v14, v11  }
0x22e: {  	s16 =	simm.s32 $0x0;
	s17 =	simm.s32 $0x50C0;
	v14 =	vsub.s16 v17, v11;
	v12 =	vsub.s16 v12, v11;
	v17 =	vimm.s32 $0x0  }
.LBB2_27:
0x22f: {  	v19 =	vld [tilespmem:s17+$0x30];
	v18 =	vshrl.u32 v18, $0xF;
	v15 =	vsub.s16 v15, v11;
	v13 =	vsub.s16 v13, v11  }
0x230: {  	v20 =	vld [tilespmem:s17+$0x20];
	v18 =	vand.u32 $0x10001, v18;
	v15 =	vshrl.u32 v15, $0xF;
	v16 =	vsub.s16 v16, v11  }
0x231: {  	v21 =	vld [tilespmem:s17+$0x10];
	v17 =	vadd.s32 v17, v18;
	v15 =	vand.u32 $0x10001, v15;
	v16 =	vshrl.u32 v16, $0xF  }
0x232: {  	v22 =	vld [tilespmem:s17+$0x0];
	v15 =	vadd.s32 v15, v17;
	v16 =	vand.u32 $0x10001, v16;
	v17 =	vshrl.u32 v13, $0xF  }
0x233: {  	v14 =	vshrl.u32 v14, $0xF;
	s16 =	sadd.s32 $0x8, s16;
	v13 =	vld [tilespmem:s17+$0xFFFFFFF0];
	v15 =	vadd.s32 v16, v15;
	v16 =	vand.u32 $0x10001, v17  }
0x234: {  	v12 =	vshrl.u32 v12, $0xF;
	v14 =	vand.u32 $0x10001, v14;
	p0 =	slt.u32 s16, $0xF8;
	v18 =	vld [tilespmem:s17+$0xFFFFFFC0];
	v16 =	vadd.s32 v16, v15  }
.Ltmp12:
0x235: {  	v10 =	vshrl.u32 v10, $0xF;
	v12 =	vand.u32 $0x10001, v12;
	v15 =	vld [tilespmem:s17+$0xFFFFFFD0];
	v14 =	vadd.s32 v14, v16;
	(pc) =	sbr.rel @p0 .LBB2_27-.Ltmp12, $4  }
0x236: {  	v9 =	vshrl.u32 v9, $0xF;
	v10 =	vand.u32 $0x10001, v10;
	v16 =	vld [tilespmem:s17+$0xFFFFFFE0];
	v12 =	vadd.s32 v12, v14  }
0x237: {  	v14 =	vand.u32 $0x10001, v9;
	v12 =	vadd.s32 v10, v12  }
0x238: {  	v9 =	vsub.s16 v19, v11;
	v10 =	vsub.s16 v20, v11;
	v17 =	vadd.s32 v14, v12  }
0x239: {  	s17 =	sadd.s32 $0x80, s17;
	v14 =	vsub.s16 v22, v11;
	v12 =	vsub.s16 v21, v11;
	v18 =	vsub.s16 v18, v11  }
0x23a: {  	v18 =	vshrl.u32 v18, $0xF;
	v15 =	vsub.s16 v15, v11;
	v13 =	vsub.s16 v13, v11  }
0x23b: {  	v18 =	vand.u32 $0x10001, v18;
	v15 =	vshrl.u32 v15, $0xF;
	v61 =	vsub.s16 v16, v11  }
0x23c: {  	v62 =	vadd.s32 v17, v18;
	v15 =	vand.u32 $0x10001, v15;
	v11 =	vshrl.u32 v61, $0xF  }
0x23d: {  	v13 =	vshrl.u32 v13, $0xF;
	v15 =	vadd.s32 v15, v62;
	v11 =	vand.u32 $0x10001, v11  }
0x23e: {  	v14 =	vshrl.u32 v14, $0xF;
	v13 =	vand.u32 $0x10001, v13;
	v11 =	vadd.s32 v11, v15  }
0x23f: {  	v12 =	vshrl.u32 v12, $0xF;
	v63 =	vand.u32 $0x10001, v14;
	v11 =	vadd.s32 v13, v11  }
0x240: {  	v10 =	vshrl.u32 v10, $0xF;
	v12 =	vand.u32 $0x10001, v12;
	v11 =	vadd.s32 v63, v11  }
0x241: {  	v9 =	vshrl.u32 v9, $0xF;
	v10 =	vand.u32 $0x10001, v10;
	v11 =	vadd.s32 v12, v11  }
0x242: {  	v9 =	vand.u32 $0x10001, v9;
	v10 =	vadd.s32 v10, v11  }
0x243: {  	v9 =	vadd.s32 v9, v10  }
0x244: {  	v10 =	vand.u32 $0xFFFF, v9;
	v9 =	vshra.s32 v9, $0x10  }
0x245: {  	v9 =	vadd.s32 v9, v10  }
0x246: {  	v10 =	vperm.xlane v9, v0;
	_ =	sdelay $0x1  }
0x247: {  	v9 =	vadd.s32 v9, v10  }
0x248: {  	v10 =	vperm.xlane v9, v1;
	_ =	sdelay $0x1  }
0x249: {  	v9 =	vadd.s32 v10, v9  }
0x24a: {  	v10 =	vperm.xlane v9, v2;
	_ =	sdelay $0x1  }
0x24b: {  	s15 =	sadd.s32 $0x1, s15;
	v9 =	vadd.s32 v10, v9  }
0x24c: {  	p0 =	sne.s32 s15, $0xF;
	v10 =	vperm.xlane v9, v4  }
.Ltmp13:
0x24d: {  	_ = 	snop;
	(pc) =	sbr.rel @p0 .LBB2_26-.Ltmp13, $4  }
0x24e: {  	v9 =	vadd.s32 v9, v10  }
0x24f: {  	v9 =	vadd.s32 $0xFFFFDFFF, v9  }
0x250: {  	vm0 =	vlt.s32 v9, $0xFFFFFE00  }
0x251: {  	v7 =	vsel vm0, v8, v7  }
0x252: {  	_ =	strace $0x90000051  }
0x253: {  	s16 =	simm.s32 $0x2040;
	_ =	strace $0x80000052  }
0x254: {  	v9 =	vld [tilespmem:s16+$0x30]  }
0x255: {  	v8 =	vld [tilespmem:s16+$0x20]  }
0x256: {  	v16 =	vld [tilespmem:s16+$0x10]  }
0x257: {  	v11 =	vld [tilespmem:s16+$0x0]  }
0x258: {  	v15 =	vld [tilespmem:s16+$0xFFFFFFC0]  }
0x259: {  	v10 =	vld [tilespmem:s16+$0xFFFFFFF0]  }
0x25a: {  	v12 =	vld [tilespmem:s16+$0xFFFFFFD0]  }
0x25b: {  	v13 =	vld [tilespmem:s16+$0xFFFFFFE0]  }
0x25c: {  	v7 =	vshll.u32 v7, $0x1;
	v14 =	vimm.s32 $0x0  }
0x25d: {  	v6 =	vor.u32 v6, v7;
	v8 =	vand.u32 $0x7FFFFFFF, v8;
	v7 =	vand.u32 $0x7FFFFFFF, v9  }
0x25e: {  	s15 =	simm.s32 $0x0;
	s16 =	simm.s32 $0x20C0;
	v15 =	vand.u32 $0x7FFFFFFF, v15;
	v11 =	vand.u32 $0x7FFFFFFF, v11;
	v9 =	vand.u32 $0x7FFFFFFF, v16  }
.LBB2_30:
0x25f: {  	v16 =	vld [tilespmem:s16+$0x30];
	vm0 =	vlt.s32 v6, v15;
	v12 =	vand.u32 $0x7FFFFFFF, v12;
	v10 =	vand.u32 $0x7FFFFFFF, v10  }
0x260: {  	v15 =	vld [tilespmem:s16+$0x20];
	v17 =	vsel vm0, $0x1, v5;
	vm0 =	vlt.s32 v6, v12;
	v12 =	vand.u32 $0x7FFFFFFF, v13  }
0x261: {  	v18 =	vld [tilespmem:s16+$0x10];
	v13 =	vadd.s32 v17, v14;
	v14 =	vsel vm0, $0x1, v5;
	vm0 =	vlt.s32 v6, v12  }
0x262: {  	v17 =	vld [tilespmem:s16+$0x0];
	v12 =	vadd.s32 v14, v13;
	v13 =	vsel vm0, $0x1, v5;
	vm0 =	vlt.s32 v6, v10  }
0x263: {  	s15 =	sadd.s32 $0x8, s15;
	v10 =	vld [tilespmem:s16+$0xFFFFFFF0];
	v12 =	vadd.s32 v13, v12;
	v13 =	vsel vm0, $0x1, v5;
	vm0 =	vlt.s32 v6, v11  }
0x264: {  	p0 =	slt.u32 s15, $0x1F8;
	v11 =	vld [tilespmem:s16+$0xFFFFFFC0];
	v13 =	vadd.s32 v13, v12;
	v14 =	vsel vm0, $0x1, v5;
	vm0 =	vlt.s32 v6, v9  }
.Ltmp14:
0x265: {  	v12 =	vld [tilespmem:s16+$0xFFFFFFD0];
	v9 =	vadd.s32 v14, v13;
	v14 =	vsel vm0, $0x1, v5;
	vm0 =	vlt.s32 v6, v8;
	(pc) =	sbr.rel @p0 .LBB2_30-.Ltmp14, $4  }
0x266: {  	v13 =	vld [tilespmem:s16+$0xFFFFFFE0];
	v8 =	vadd.s32 v14, v9;
	v9 =	vsel vm0, $0x1, v5;
	vm0 =	vlt.s32 v6, v7  }
0x267: {  	v9 =	vadd.s32 v9, v8;
	v14 =	vsel vm0, $0x1, v5  }
0x268: {  	v7 =	vand.u32 $0x7FFFFFFF, v16;
	v8 =	vand.u32 $0x7FFFFFFF, v15;
	v14 =	vadd.s32 v14, v9  }
0x269: {  	s16 =	sadd.s32 $0x80, s16;
	v9 =	vand.u32 $0x7FFFFFFF, v18;
	v15 =	vand.u32 $0x7FFFFFFF, v11;
	v11 =	vand.u32 $0x7FFFFFFF, v17  }
0x26a: {  	vm0 =	vlt.s32 v6, v15;
	v12 =	vand.u32 $0x7FFFFFFF, v12;
	v10 =	vand.u32 $0x7FFFFFFF, v10  }
0x26b: {  	v15 =	vsel vm0, $0x1, v5;
	vm0 =	vlt.s32 v6, v12;
	v12 =	vand.u32 $0x7FFFFFFF, v13  }
0x26c: {  	v13 =	vadd.s32 v15, v14;
	v14 =	vsel vm0, $0x1, v5;
	vm0 =	vlt.s32 v6, v12  }
0x26d: {  	v12 =	vadd.s32 v14, v13;
	v13 =	vsel vm0, $0x1, v5;
	vm0 =	vlt.s32 v6, v10  }
0x26e: {  	v10 =	vadd.s32 v13, v12;
	v12 =	vsel vm0, $0x1, v5;
	vm0 =	vlt.s32 v6, v11  }
0x26f: {  	v10 =	vadd.s32 v12, v10;
	v11 =	vsel vm0, $0x1, v5;
	vm0 =	vlt.s32 v6, v9  }
0x270: {  	v9 =	vadd.s32 v11, v10;
	v10 =	vsel vm0, $0x1, v5;
	vm0 =	vlt.s32 v6, v8  }
0x271: {  	v8 =	vadd.s32 v10, v9;
	v9 =	vsel vm0, $0x1, v5;
	vm0 =	vlt.s32 v6, v7  }
0x272: {  	v7 =	vadd.s32 v9, v8;
	v8 =	vsel vm0, $0x1, v5  }
0x273: {  	v7 =	vadd.s32 v8, v7  }
0x274: {  	v8 =	vperm.xlane v7, v0;
	_ =	sdelay $0x1  }
0x275: {  	v7 =	vadd.s32 v7, v8  }
0x276: {  	v8 =	vperm.xlane v7, v1;
	_ =	sdelay $0x1  }
0x277: {  	v7 =	vadd.s32 v8, v7  }
0x278: {  	v8 =	vperm.xlane v7, v2  }
0x279: {  	_ =	strace $0x90000052  }
0x27a: {  	s15 =	simm.s32 $0x2040;
	_ =	strace $0x80000053;
	v7 =	vadd.s32 v8, v7  }
0x27b: {  	v14 =	vld [tilespmem:s15+$0x30];
	v8 =	vperm.xlane v7, v4  }
0x27c: {  	v13 =	vld [tilespmem:s15+$0xFFFFFFD0]  }
0x27d: {  	v12 =	vld [tilespmem:s15+$0xFFFFFFE0];
	v7 =	vadd.s32 v8, v7  }
0x27e: {  	v11 =	vld [tilespmem:s15+$0xFFFFFFF0];
	vm0 =	vgt.s32 v7, $0x1FF  }
0x27f: {  	v10 =	vld [tilespmem:s15+$0x0];
	v7 =	vsel vm0, $0x1, v5  }
0x280: {  	v9 =	vand.u32 $0x7FFFFFFF, v14;
	v8 =	vld [tilespmem:s15+$0x10];
	v6 =	vor.u32 v7, v6  }
0x281: {  	v15 =	vand.u32 $0x7FFFFFFF, v13;
	v7 =	vld [tilespmem:s15+$0x20];
	vm1 =	vgt.s32 v6, v9  }
0x282: {  	s16 =	simm.s32 $0x0;
	s17 =	simm.s32 $0x20C0;
	v9 =	vld [tilespmem:s15+$0xFFFFFFC0];
	vm0 =	vgt.s32 v6, v15;
	v15 =	vand.u32 $0x7FFFFFFF, v12;
	v14 =	vsel vm1, $0x0, v14  }
.LBB2_32:
0x283: {  	v16 =	vld [tilespmem:s17+$0x30];
	s16 =	sadd.s32 $0x8, s16;
	v17 =	vsel vm0, $0x0, v13;
	vm0 =	vgt.s32 v6, v15;
	v15 =	vand.u32 $0x7FFFFFFF, v11;
	[tilespmem:s15+$0x30] =	vst v14  }
0x284: {  	v13 =	vld [tilespmem:s17+$0xFFFFFFD0];
	p0 =	slt.u32 s16, $0x1F8;
	[tilespmem:s15+$0xFFFFFFD0] =	vst v17;
	v14 =	vsel vm0, $0x0, v12;
	vm0 =	vgt.s32 v6, v15;
	v15 =	vand.u32 $0x7FFFFFFF, v10  }
0x285: {  	v12 =	vld [tilespmem:s17+$0xFFFFFFE0];
	[tilespmem:s15+$0xFFFFFFE0] =	vst v14;
	v14 =	vsel vm0, $0x0, v11;
	vm0 =	vgt.s32 v6, v15;
	v15 =	vand.u32 $0x7FFFFFFF, v8  }
.Ltmp15:
0x286: {  	v11 =	vld [tilespmem:s17+$0xFFFFFFF0];
	[tilespmem:s15+$0xFFFFFFF0] =	vst v14;
	v14 =	vsel vm0, $0x0, v10;
	vm0 =	vgt.s32 v6, v15;
	v15 =	vand.u32 $0x7FFFFFFF, v7;
	(pc) =	sbr.rel @p0 .LBB2_32-.Ltmp15, $4  }
0x287: {  	v10 =	vld [tilespmem:s17+$0x0];
	v17 =	vand.u32 $0x7FFFFFFF, v9;
	[tilespmem:s15+$0x0] =	vst v14;
	v14 =	vsel vm0, $0x0, v8;
	vm0 =	vgt.s32 v6, v15  }
0x288: {  	v8 =	vld [tilespmem:s17+$0x10];
	v15 =	vand.u32 $0x7FFFFFFF, v16;
	vm1 =	vgt.s32 v6, v17;
	[tilespmem:s15+$0x10] =	vst v14;
	v14 =	vsel vm0, $0x0, v7  }
0x289: {  	v17 =	vand.u32 $0x7FFFFFFF, v13;
	v7 =	vld [tilespmem:s17+$0x20];
	vm2 =	vgt.s32 v6, v15;
	v18 =	vsel vm1, $0x0, v9;
	[tilespmem:s15+$0x20] =	vst v14  }
0x28a: {  	v9 =	vld [tilespmem:s17+$0xFFFFFFC0];
	vm0 =	vgt.s32 v6, v17;
	v15 =	vand.u32 $0x7FFFFFFF, v12;
	v14 =	vsel vm2, $0x0, v16;
	[tilespmem:s15+$0xFFFFFFC0] =	vst v18;
	s15 =	smov.u32 s17;
	s17 =	sadd.s32 $0x80, s17  }
0x28b: {  	v13 =	vsel vm0, $0x0, v13;
	vm11 =	vgt.s32 v6, v15;
	v56 =	vand.u32 $0x7FFFFFFF, v11;
	[tilespmem:s15+$0x30] =	vst v14  }
0x28c: {  	[tilespmem:s15+$0xFFFFFFD0] =	vst v13;
	v12 =	vsel vm11, $0x0, v12;
	vm12 =	vgt.s32 v6, v56;
	v57 =	vand.u32 $0x7FFFFFFF, v10  }
0x28d: {  	[tilespmem:s15+$0xFFFFFFE0] =	vst v12;
	v58 =	vsel vm12, $0x0, v11;
	vm13 =	vgt.s32 v6, v57;
	v59 =	vand.u32 $0x7FFFFFFF, v8  }
0x28e: {  	[tilespmem:s15+$0xFFFFFFF0] =	vst v58;
	v60 =	vsel vm13, $0x0, v10;
	vm14 =	vgt.s32 v6, v59;
	v61 =	vand.u32 $0x7FFFFFFF, v7  }
0x28f: {  	v62 =	vand.u32 $0x7FFFFFFF, v9;
	[tilespmem:s15+$0x0] =	vst v60;
	v63 =	vsel vm14, $0x0, v8;
	vm15 =	vgt.s32 v6, v61  }
0x290: {  	vm1 =	vgt.s32 v6, v62;
	[tilespmem:s15+$0x10] =	vst v63;
	v6 =	vsel vm15, $0x0, v7  }
0x291: {  	v7 =	vsel vm1, $0x0, v9;
	[tilespmem:s15+$0x20] =	vst v6  }
0x292: {  	[tilespmem:s15+$0xFFFFFFC0] =	vst v7  }
0x293: {  	s14 =	sadd.s32 $0x1, s14;
	_ =	strace $0x90000053  }
0x294: {  	[hbm4b:s6+s11] =	stream.strided.scatter [tilespmem:s9], [sflag:$0x3], $0x2000, s8, s11, $0x38;
	[tilespmem:$0x6000] =	vst v63  }
0x295: {  	p0 =	sne.s32 s14, s7;
	_ =	swait.ge [sflag:s13], $0x2000  }
.Ltmp16:
0x296: {  	[sflag:s13] =	ssyncset.done $0x0;
	(pc) =	sbr.rel @p0 .LBB2_1-.Ltmp16, $4  }
0x297: {  	[sflag:s13] =	ssyncadd.s32 $0xFFFFE000  }
0x298: {  	_ =	swait.ge [sflag:s13], $0x2000  }
0x299: {  	[sflag:s13] =	ssyncset.done $0x0  }
0x29a: {  	[sflag:s13] =	ssyncadd.s32 $0xFFFFE000  }
0x29b: {  	_ =	sfence.sel $0x180000  }
0x29c: {  	[bflag:$0x0] =	sbarrier.arrive $0xFFFF  }
0x29d: {  	p0 =	sne.s32 s1, $0x0;
	_ =	strace $0x90000047  }
0x29e: {  	s0 =	sadd.s32 @!p0 $0x100000, s0;
	[bflag:$0x2] =	sbarrier.arrive $0xFFFF  }
0x29f: {  	[sflag:s0] =	ssyncadd.tile.s32 @!p0 $0x1;
	_ =	shalt  }
.Lfunc_end2:
_tile_overlayer_lowered:
.L_overlay_start_2:
0x2a0: {  	(tag) =	ssettag $0x2  }
0x2a1: {  	s0 =	rddreg [dreg:$0x0];
	s2 =	stileid.u32  }
0x2a2: {  	s1 =	rddreg [dreg:$0x1];
	p0 =	sne.s32 s2, $0x0  }
0x2a3: {  	s3 =	rddreg [dreg:$0x2];
	[bflag:$0x3] =	sbarrier.arrive $0xFFFF;
	s2 =	simm.s32 @!p0 $0x1C04  }
0x2a4: {  	[timem:s3], [sflag:s2] =	dma.local @!p0 [hbm:s0], s1  }
0x2a5: {  	s0 =	simm.s32 @!p0 $0x4  }
0x2a6: {  	_ =	swait.ge @!p0 [sflag:s0], s1  }
0x2a7: {  	s1 =	ssub.s32 @!p0 $0x0, s1;
	[sflag:s0] =	ssyncset.done @!p0 $0x0  }
0x2a8: {  	[sflag:s0] =	ssyncadd.s32 @!p0 s1  }
0x2a9: {  	[bflag:$0x3] =	sbarrier.arrive $0xFFFF  }
0x2aa: {  	_ =	shalt  }

</sc_bundles>
